<compile_context>
chip_gen: v7x
topology: tpu7x:2x2x1
jax: 0.10.2.dev20260603
libtpu: 0.0.44.dev20260713+nightly
codegen_flags: <defaults>
</compile_context>

<pallas_src>
import functools

import jax
import jax.numpy as jnp
from jax import lax
from jax.experimental import pallas as pl
from jax.experimental.pallas import tpu as pltpu
from jax.experimental.pallas import tpu_sc as plsc

_B, _C, _S, _H = 1024, 26, 50, 32
_M = _B * _C * _S
_NC, _NS = 2, 16
_NW = _NC * _NS
_GROUP = 128
_GPC = 8
_CHUNK = _GPC * _GROUP
_NPAIRS = _C * _S
_B4 = _B // 4
_KSLICES = 2
_CSLICE = _C // _KSLICES


def _sc_gather(idx4, word_table, pair_lo, npairs):
    mesh = plsc.VectorSubcoreMesh(core_axis_name="c", subcore_axis_name="s")

    @functools.partial(
        pl.kernel,
        mesh=mesh,
        out_type=jax.ShapeDtypeStruct((npairs * _CHUNK, _H), jnp.float32),
        compiler_params=pltpu.CompilerParams(use_tc_tiling_on_sc=False),
        scratch_types=[
            pltpu.VMEM((_GPC, _GROUP), jnp.int32),
            pltpu.VMEM((_CHUNK, _H), jnp.float32),
            pltpu.SemaphoreType.DMA,
        ],
    )
    def k(idx_hbm, table_hbm, out_hbm, idx_v, rows_v, gsem):
        wid = lax.axis_index("s") * _NC + lax.axis_index("c")
        p_start = (npairs * wid) // _NW
        p_end = (npairs * (wid + 1)) // _NW

        @pl.loop(0, p_end - p_start)
        def _(i):
            p = p_start + i
            pg = pair_lo + p
            pltpu.sync_copy(idx_hbm.at[pg], idx_v)
            copies = []
            for j in range(_GPC):
                copies.append(
                    pltpu.async_copy(
                        table_hbm.at[idx_v.at[j]],
                        rows_v.at[pl.ds(j * _GROUP, _GROUP)],
                        gsem,
                    )
                )
            for cp in copies:
                cp.wait()
            row0 = pl.multiple_of(p * _CHUNK, 1024)
            pltpu.sync_copy(rows_v, out_hbm.at[pl.ds(row0, _CHUNK)])

    return k(idx4, word_table)


_NSB = 25
_RB = _NSB * _B4
def _tc_body(weg_ref, bias_ref, wrow_ref, gamma_ref, beta_ref, G_ref,
             prev_ref, o_ref):
    c = pl.program_id(1)
    X = weg_ref[...]
    bexp = jnp.broadcast_to(
        bias_ref[0, :, 0, :][:, None, :], (_NSB, _B4, 128)).reshape(_RB, 128)
    wexp = jnp.broadcast_to(
        wrow_ref[0, :, 0, :][:, None, :], (_NSB, _B4, 128)).reshape(_RB, 128)
    emb = X + bexp
    G = G_ref[...]
    s1 = jax.lax.dot(emb, G)
    s2 = jax.lax.dot(emb * emb, G)
    mu = s1 * (1.0 / _H)
    var = s2 * (1.0 / _H) - mu * mu
    rstd = jax.lax.rsqrt(var + 1e-5)
    contrib = (emb - mu) * (rstd * wexp * gamma_ref[...]) \
        + wexp * beta_ref[...]
    contrib = contrib.reshape(_NSB, _B4, 128)

    @pl.when(c == 0)
    def _():
        o_ref[...] = prev_ref[...] + contrib

    @pl.when(c > 0)
    def _():
        o_ref[...] += contrib


def _tc_fuse(weg2, wrow, bias, gamma128, beta128, G, prev, ncs):
    return pl.pallas_call(
        _tc_body,
        grid=(_S // _NSB, ncs),
        in_specs=[
            pl.BlockSpec((_RB, 128),
                         lambda sb, c: (c * (_S // _NSB) + sb, 0)),
            pl.BlockSpec((1, _NSB, 1, 128), lambda sb, c: (c, sb, 0, 0)),
            pl.BlockSpec((1, _NSB, 1, 128), lambda sb, c: (c, sb, 0, 0)),
            pl.BlockSpec((1, 128), lambda sb, c: (0, 0)),
            pl.BlockSpec((1, 128), lambda sb, c: (0, 0)),
            pl.BlockSpec((128, 128), lambda sb, c: (0, 0)),
            pl.BlockSpec((_NSB, _B4, 128), lambda sb, c: (sb, 0, 0)),
        ],
        out_specs=pl.BlockSpec((_NSB, _B4, 128), lambda sb, c: (sb, 0, 0)),
        out_shape=jax.ShapeDtypeStruct((_S, _B4, 128), jnp.float32),
        input_output_aliases={6: 0},
    )(weg2, bias, wrow, gamma128, beta128, G, prev)


def kernel(x, word_table, pos_table, ch_table, ln_gamma, ln_beta, fusion_w):
    w = jax.nn.softmax(fusion_w, axis=-1)
    wrow = jnp.broadcast_to(w.T[:, :, None], (_C, _S, 128))
    wrow = wrow.reshape(_C, _S, 1, 128)
    bias = ch_table[:, None, :] + pos_table[None, :, :]
    bias = jnp.tile(bias, (1, 1, 4)).reshape(_C, _S, 1, 128)
    gamma128 = jnp.tile(ln_gamma, 4).reshape(1, 128)
    beta128 = jnp.tile(ln_beta, 4).reshape(1, 128)
    gi = jax.lax.broadcasted_iota(jnp.int32, (128, 128), 0) // _H
    gj = jax.lax.broadcasted_iota(jnp.int32, (128, 128), 1) // _H
    G = (gi == gj).astype(jnp.float32)

    idx4 = jnp.transpose(x, (1, 2, 0)).reshape(_NPAIRS, _GPC, _GROUP)

    out4 = jnp.zeros((_S, _B4, 128), jnp.float32)
    npairs = _CSLICE * _S
    for k in range(_KSLICES):
        c_lo = k * _CSLICE
        weg = _sc_gather(idx4, word_table, c_lo * _S, npairs)
        weg2 = weg.reshape(npairs * _CHUNK // 4, 128)
        out4 = _tc_fuse(weg2, wrow[c_lo:c_lo + _CSLICE],
                        bias[c_lo:c_lo + _CSLICE], gamma128, beta128, G,
                        out4, _CSLICE)
    return jnp.transpose(out4.reshape(_S, _B, _H), (1, 0, 2))

# --- scband reference (transcript-rebuilt; emitter-appended) ---
"""Pipeline reference for scband-ark-encoder-24627342475688 (READ-ONLY COPY).

The authoritative reference and input builder live on the scoring server;
editing this copy changes nothing except your own understanding.
"""

import jax, jax.numpy as jnp
import numpy as np

B, C, S, H, V = 1024, 26, 50, 32, 1000000


def layer_norm(x, gamma, beta, eps=1e-5):
    mu = jnp.mean(x, axis=-1, keepdims=True)
    var = jnp.mean((x - mu) ** 2, axis=-1, keepdims=True)
    return (x - mu) / jnp.sqrt(var + eps) * gamma + beta


def setup_inputs(seed: int = 0):
    key = jax.random.key(seed)
    ks = jax.random.split(key, 7)
    x = jax.random.randint(ks[0], (B, C, S), 0, V, dtype=jnp.int32)
    word_table = jax.random.normal(ks[1], (V, H), dtype=jnp.float32) * 0.02
    pos_table = jax.random.normal(ks[2], (S, H), dtype=jnp.float32) * 0.02
    ch_table = jax.random.normal(ks[3], (C, H), dtype=jnp.float32) * 0.02
    ln_gamma = jnp.ones((H,), dtype=jnp.float32)
    ln_beta = jnp.zeros((H,), dtype=jnp.float32)
    fusion_w = jax.random.normal(ks[4], (S, C), dtype=jnp.float32) * 0.02
    return {"x": x, "word_table": word_table, "pos_table": pos_table,
            "ch_table": ch_table, "ln_gamma": ln_gamma, "ln_beta": ln_beta,
            "fusion_w": fusion_w}


def reference(x, word_table, pos_table, ch_table, ln_gamma, ln_beta, fusion_w):
    # x: (B, num_channels, steps) -> (B, steps, num_channels)
    xt = jnp.transpose(x, (0, 2, 1))
    # word embedding gather: (B, S, C, H)
    we = jnp.take(word_table, xt, axis=0)
    # position embedding: same per channel -> (S, 1, H) broadcast
    pe = pos_table[None, :, None, :]
    # channel embedding: (1, 1, C, H)
    ce = ch_table[None, None, :, :]
    emb = we + pe + ce
    emb = layer_norm(emb, ln_gamma, ln_beta)
    # dropout p=0 (eval) -> identity
    # FusionChannel: learned per-(step, channel) softmax weights, weighted sum over channels
    w = jax.nn.softmax(fusion_w, axis=-1)  # (S, C)
    out = jnp.einsum('sc,bsch->bsh', w, emb)  # (B, S, H)
    return out

if __name__ == "__main__":
    import jax
    _d = setup_inputs()
    print(jax.jit(kernel)(*tuple(_d.values())))

</pallas_src>

<mosaic_0001>
#map = affine_map<(d0, d1) -> (0, 0, 0)>
#map1 = affine_map<(d0, d1) -> (0, 0)>
module attributes {stable_mosaic.version = 14 : i64} {
  func.func @k(%arg0: i32, %arg1: i32, %arg2: memref<1300x8x128xi32, #tpu.memory_space<hbm>>, %arg3: memref<1000000x32xf32, #tpu.memory_space<hbm>>, %arg4: memref<665600x32xf32, #tpu.memory_space<hbm>>, %arg5: memref<8x128xi32, #tpu.memory_space<vmem>>, %arg6: memref<1024x32xf32, #tpu.memory_space<vmem>>, %arg7: memref<!tpu.dma_semaphore, #tpu.memory_space<semaphore_mem>>) attributes {dimension_semantics = [#tpu.dimension_semantics<core_parallel>, #tpu.dimension_semantics<subcore_parallel>], iteration_bounds = array<i64: 2, 16>, scalar_prefetch = 0 : i64, scratch_operands = 3 : i64, tpu.core_type = #tpu.core_type<sc_vector_subcore>, window_params = [{transform_indices = #map}, {transform_indices = #map1}, {transform_indices = #map1}]} {
    %mul3A = arith.constant 2 : i32
    %mul3A_0 = arith.muli %arg1, %mul3A : i32
    %add3A = arith.addi %mul3A_0, %arg0 : i32
    %mul3A_1 = arith.constant 650 : i32
    %mul3A_2 = arith.muli %mul3A_1, %add3A : i32
    %jit3A = arith.constant 32 : i32
    %div3A = arith.divsi %mul3A_2, %jit3A : i32
    %sign3A = arith.constant 0 : i32
    %sign3A_3 = arith.cmpi sgt, %mul3A_2, %sign3A : i32
    %sign3A_4 = arith.extui %sign3A_3 : i1 to i32
    %sign3A_5 = arith.constant 0 : i32
    %sign3A_6 = arith.cmpi slt, %mul3A_2, %sign3A_5 : i32
    %sign3A_7 = arith.extui %sign3A_6 : i1 to i32
    %sign3A_8 = arith.subi %sign3A_4, %sign3A_7 : i32
    %sign3A_9 = arith.constant 0 : i32
    %sign3A_10 = arith.cmpi sgt, %jit3A, %sign3A_9 : i32
    %sign3A_11 = arith.extui %sign3A_10 : i1 to i32
    %sign3A_12 = arith.constant 0 : i32
    %sign3A_13 = arith.cmpi slt, %jit3A, %sign3A_12 : i32
    %sign3A_14 = arith.extui %sign3A_13 : i1 to i32
    %sign3A_15 = arith.subi %sign3A_11, %sign3A_14 : i32
    %ne3A = arith.cmpi ne, %sign3A_8, %sign3A_15 : i32
    %rem3A = arith.remsi %mul3A_2, %jit3A : i32
    %ne3A_16 = arith.constant 0 : i32
    %ne3A_17 = arith.cmpi ne, %rem3A, %ne3A_16 : i32
    %and3A = arith.andi %ne3A, %ne3A_17 : i1
    %sub3A = arith.constant 1 : i32
    %sub3A_18 = arith.subi %div3A, %sub3A : i32
    %select_n3A = arith.select %and3A, %sub3A_18, %div3A : i32
    %add3A_19 = arith.constant 1 : i32
    %add3A_20 = arith.addi %add3A, %add3A_19 : i32
    %mul3A_21 = arith.constant 650 : i32
    %mul3A_22 = arith.muli %mul3A_21, %add3A_20 : i32
    %jit3A_23 = arith.constant 32 : i32
    %div3A_24 = arith.divsi %mul3A_22, %jit3A_23 : i32
    %sign3A_25 = arith.constant 0 : i32
    %sign3A_26 = arith.cmpi sgt, %mul3A_22, %sign3A_25 : i32
    %sign3A_27 = arith.extui %sign3A_26 : i1 to i32
    %sign3A_28 = arith.constant 0 : i32
    %sign3A_29 = arith.cmpi slt, %mul3A_22, %sign3A_28 : i32
    %sign3A_30 = arith.extui %sign3A_29 : i1 to i32
    %sign3A_31 = arith.subi %sign3A_27, %sign3A_30 : i32
    %sign3A_32 = arith.constant 0 : i32
    %sign3A_33 = arith.cmpi sgt, %jit3A_23, %sign3A_32 : i32
    %sign3A_34 = arith.extui %sign3A_33 : i1 to i32
    %sign3A_35 = arith.constant 0 : i32
    %sign3A_36 = arith.cmpi slt, %jit3A_23, %sign3A_35 : i32
    %sign3A_37 = arith.extui %sign3A_36 : i1 to i32
    %sign3A_38 = arith.subi %sign3A_34, %sign3A_37 : i32
    %ne3A_39 = arith.cmpi ne, %sign3A_31, %sign3A_38 : i32
    %rem3A_40 = arith.remsi %mul3A_22, %jit3A_23 : i32
    %ne3A_41 = arith.constant 0 : i32
    %ne3A_42 = arith.cmpi ne, %rem3A_40, %ne3A_41 : i32
    %and3A_43 = arith.andi %ne3A_39, %ne3A_42 : i1
    %sub3A_44 = arith.constant 1 : i32
    %sub3A_45 = arith.subi %div3A_24, %sub3A_44 : i32
    %select_n3A_46 = arith.select %and3A_43, %sub3A_45, %div3A_24 : i32
    %sub3A_47 = arith.subi %select_n3A_46, %select_n3A : i32
    %sub3A_48 = arith.constant 0 : i32
    %sub3A_49 = arith.subi %sub3A_47, %sub3A_48 : i32
    %sub3A_50 = arith.constant 1 : i32
    %sub3A_51 = arith.constant 1 : i32
    %sub3A_52 = arith.subi %sub3A_50, %sub3A_51 : i32
    %add3A_53 = arith.addi %sub3A_49, %sub3A_52 : i32
    %div3A_54 = arith.constant 1 : i32
    %div3A_55 = arith.divsi %add3A_53, %div3A_54 : i32
    %while3A = arith.constant 1 : i32
    %while3A_56 = arith.constant 0 : i32
    %while3A_57 = arith.constant 0 : i32
    %while3A_58 = arith.subi %div3A_55, %while3A_57 : i32
    %while3A_59 = arith.addi %while3A_57, %while3A_58 : i32
    %while3A_60 = arith.constant 1 : i32
    %while3A_61 = arith.divsi %while3A_58, %while3A_60 : i32
    %while3A_62 = arith.muli %while3A_61, %while3A_60 : i32
    %while3A_63 = arith.addi %while3A_57, %while3A_62 : i32
    %while3A_64 = arith.constant 1 : i32
    scf.for %while3A_66 = %while3A_57 to %while3A_63 step %while3A_64  : i32 {
      %mul3A_67 = arith.muli %while3A_66, %while3A : i32
      %add3A_68 = arith.addi %while3A_56, %mul3A_67 : i32
      %add3A_69 = arith.addi %select_n3A, %add3A_68 : i32
      %add3A_70 = arith.constant 650 : i32
      %add3A_71 = arith.addi %add3A_70, %add3A_69 : i32
      "tpu.region"() ({
        %run_scoped3A = tpu.sem_alloc : memref<!tpu.dma_semaphore, #tpu.memory_space<semaphore_mem>>
        %dma_start3A_232 = arith.constant 0 : i32
        %dma_start3A_233 = arith.constant 0 : i32
        %dma_start3A_234 = tpu.memref_slice %arg2[%add3A_71, %dma_start3A_232, %dma_start3A_233] : memref<1300x8x128xi32, #tpu.memory_space<hbm>> -> memref<1x8x128xi32, #tpu.memory_space<hbm>>
        %dma_start3A_235 = tpu.memref_squeeze %dma_start3A_234 : memref<1x8x128xi32, #tpu.memory_space<hbm>> -> memref<8x128xi32, #tpu.memory_space<hbm>>
        %dma_start3A_236 = arith.constant 0 : i32
        %dma_start3A_237 = arith.constant 0 : i32
        %dma_start3A_238 = tpu.memref_slice %arg2[%add3A_71, %dma_start3A_236, %dma_start3A_237] : memref<1300x8x128xi32, #tpu.memory_space<hbm>> -> memref<1x8x128xi32, #tpu.memory_space<hbm>>
        %dma_start3A_239 = tpu.memref_squeeze %dma_start3A_238 : memref<1x8x128xi32, #tpu.memory_space<hbm>> -> memref<8x128xi32, #tpu.memory_space<hbm>>
        tpu.enqueue_dma source(%dma_start3A_239 : memref<8x128xi32, #tpu.memory_space<hbm>>) target(%arg5 : memref<8x128xi32, #tpu.memory_space<vmem>>) target_semaphore(%run_scoped3A : memref<!tpu.dma_semaphore, #tpu.memory_space<semaphore_mem>>)
        %dma_wait3A_240 = arith.constant 0 : i32
        %dma_wait3A_241 = arith.constant 0 : i32
        %dma_wait3A_242 = tpu.memref_slice %arg2[%add3A_71, %dma_wait3A_240, %dma_wait3A_241] : memref<1300x8x128xi32, #tpu.memory_space<hbm>> -> memref<1x8x128xi32, #tpu.memory_space<hbm>>
        %dma_wait3A_243 = tpu.memref_squeeze %dma_wait3A_242 : memref<1x8x128xi32, #tpu.memory_space<hbm>> -> memref<8x128xi32, #tpu.memory_space<hbm>>
        %dma_wait3A_244 = arith.constant 0 : i32
        %dma_wait3A_245 = arith.constant 0 : i32
        %dma_wait3A_246 = tpu.memref_slice %arg2[%add3A_71, %dma_wait3A_244, %dma_wait3A_245] : memref<1300x8x128xi32, #tpu.memory_space<hbm>> -> memref<1x8x128xi32, #tpu.memory_space<hbm>>
        %dma_wait3A_247 = tpu.memref_squeeze %dma_wait3A_246 : memref<1x8x128xi32, #tpu.memory_space<hbm>> -> memref<8x128xi32, #tpu.memory_space<hbm>>
        tpu.wait_dma2 semaphore(%run_scoped3A : memref<!tpu.dma_semaphore, #tpu.memory_space<semaphore_mem>>) src(%dma_wait3A_247 : memref<8x128xi32, #tpu.memory_space<hbm>>) dst(%arg5 : memref<8x128xi32, #tpu.memory_space<vmem>>)
        tpu.yield
      }) : () -> ()
      %dma_start3A = arith.constant 0 : i32
      %dma_start3A_72 = arith.constant 0 : i32
      %dma_start3A_73 = arith.constant 0 : i32
      %dma_start3A_74 = tpu.memref_slice %arg6[%dma_start3A_72, %dma_start3A_73] : memref<1024x32xf32, #tpu.memory_space<vmem>> -> memref<128x32xf32, #tpu.memory_space<vmem>>
      %dma_start3A_75 = arith.constant 0 : i32
      %dma_start3A_76 = tpu.memref_slice %arg5[%dma_start3A, %dma_start3A_75] : memref<8x128xi32, #tpu.memory_space<vmem>> -> memref<1x128xi32, #tpu.memory_space<vmem>>
      %dma_start3A_77 = tpu.memref_squeeze %dma_start3A_76 : memref<1x128xi32, #tpu.memory_space<vmem>> -> memref<128xi32, #tpu.memory_space<vmem>>
      %dma_start3A_78 = arith.constant 0 : i32
      %dma_start3A_79 = arith.constant 0 : i32
      %dma_start3A_80 = tpu.memref_slice %arg3[%dma_start3A_78, %dma_start3A_79] : memref<1000000x32xf32, #tpu.memory_space<hbm>> -> memref<1000000x32xf32, #tpu.memory_space<hbm>>
      tpu.enqueue_indirect_dma source(%dma_start3A_80 : memref<1000000x32xf32, #tpu.memory_space<hbm>>) target(%dma_start3A_74 : memref<128x32xf32, #tpu.memory_space<vmem>>) offsets(%dma_start3A_77 : memref<128xi32, #tpu.memory_space<vmem>>) semaphore(%arg7 : memref<!tpu.dma_semaphore, #tpu.memory_space<semaphore_mem>>)
      %dma_start3A_81 = arith.constant 1 : i32
      %dma_start3A_82 = arith.constant 128 : i32
      %dma_start3A_83 = arith.constant 0 : i32
      %dma_start3A_84 = tpu.memref_slice %arg6[%dma_start3A_82, %dma_start3A_83] : memref<1024x32xf32, #tpu.memory_space<vmem>> -> memref<128x32xf32, #tpu.memory_space<vmem>>
      %dma_start3A_85 = arith.constant 0 : i32
      %dma_start3A_86 = tpu.memref_slice %arg5[%dma_start3A_81, %dma_start3A_85] : memref<8x128xi32, #tpu.memory_space<vmem>> -> memref<1x128xi32, #tpu.memory_space<vmem>>
      %dma_start3A_87 = tpu.memref_squeeze %dma_start3A_86 : memref<1x128xi32, #tpu.memory_space<vmem>> -> memref<128xi32, #tpu.memory_space<vmem>>
      %dma_start3A_88 = arith.constant 0 : i32
      %dma_start3A_89 = arith.constant 0 : i32
      %dma_start3A_90 = tpu.memref_slice %arg3[%dma_start3A_88, %dma_start3A_89] : memref<1000000x32xf32, #tpu.memory_space<hbm>> -> memref<1000000x32xf32, #tpu.memory_space<hbm>>
      tpu.enqueue_indirect_dma source(%dma_start3A_90 : memref<1000000x32xf32, #tpu.memory_space<hbm>>) target(%dma_start3A_84 : memref<128x32xf32, #tpu.memory_space<vmem>>) offsets(%dma_start3A_87 : memref<128xi32, #tpu.memory_space<vmem>>) semaphore(%arg7 : memref<!tpu.dma_semaphore, #tpu.memory_space<semaphore_mem>>)
      %dma_start3A_91 = arith.constant 2 : i32
      %dma_start3A_92 = arith.constant 256 : i32
      %dma_start3A_93 = arith.constant 0 : i32
      %dma_start3A_94 = tpu.memref_slice %arg6[%dma_start3A_92, %dma_start3A_93] : memref<1024x32xf32, #tpu.memory_space<vmem>> -> memref<128x32xf32, #tpu.memory_space<vmem>>
      %dma_start3A_95 = arith.constant 0 : i32
      %dma_start3A_96 = tpu.memref_slice %arg5[%dma_start3A_91, %dma_start3A_95] : memref<8x128xi32, #tpu.memory_space<vmem>> -> memref<1x128xi32, #tpu.memory_space<vmem>>
      %dma_start3A_97 = tpu.memref_squeeze %dma_start3A_96 : memref<1x128xi32, #tpu.memory_space<vmem>> -> memref<128xi32, #tpu.memory_space<vmem>>
      %dma_start3A_98 = arith.constant 0 : i32
      %dma_start3A_99 = arith.constant 0 : i32
      %dma_start3A_100 = tpu.memref_slice %arg3[%dma_start3A_98, %dma_start3A_99] : memref<1000000x32xf32, #tpu.memory_space<hbm>> -> memref<1000000x32xf32, #tpu.memory_space<hbm>>
      tpu.enqueue_indirect_dma source(%dma_start3A_100 : memref<1000000x32xf32, #tpu.memory_space<hbm>>) target(%dma_start3A_94 : memref<128x32xf32, #tpu.memory_space<vmem>>) offsets(%dma_start3A_97 : memref<128xi32, #tpu.memory_space<vmem>>) semaphore(%arg7 : memref<!tpu.dma_semaphore, #tpu.memory_space<semaphore_mem>>)
      %dma_start3A_101 = arith.constant 3 : i32
      %dma_start3A_102 = arith.constant 384 : i32
      %dma_start3A_103 = arith.constant 0 : i32
      %dma_start3A_104 = tpu.memref_slice %arg6[%dma_start3A_102, %dma_start3A_103] : memref<1024x32xf32, #tpu.memory_space<vmem>> -> memref<128x32xf32, #tpu.memory_space<vmem>>
      %dma_start3A_105 = arith.constant 0 : i32
      %dma_start3A_106 = tpu.memref_slice %arg5[%dma_start3A_101, %dma_start3A_105] : memref<8x128xi32, #tpu.memory_space<vmem>> -> memref<1x128xi32, #tpu.memory_space<vmem>>
      %dma_start3A_107 = tpu.memref_squeeze %dma_start3A_106 : memref<1x128xi32, #tpu.memory_space<vmem>> -> memref<128xi32, #tpu.memory_space<vmem>>
      %dma_start3A_108 = arith.constant 0 : i32
      %dma_start3A_109 = arith.constant 0 : i32
      %dma_start3A_110 = tpu.memref_slice %arg3[%dma_start3A_108, %dma_start3A_109] : memref<1000000x32xf32, #tpu.memory_space<hbm>> -> memref<1000000x32xf32, #tpu.memory_space<hbm>>
      tpu.enqueue_indirect_dma source(%dma_start3A_110 : memref<1000000x32xf32, #tpu.memory_space<hbm>>) target(%dma_start3A_104 : memref<128x32xf32, #tpu.memory_space<vmem>>) offsets(%dma_start3A_107 : memref<128xi32, #tpu.memory_space<vmem>>) semaphore(%arg7 : memref<!tpu.dma_semaphore, #tpu.memory_space<semaphore_mem>>)
      %dma_start3A_111 = arith.constant 4 : i32
      %dma_start3A_112 = arith.constant 512 : i32
      %dma_start3A_113 = arith.constant 0 : i32
      %dma_start3A_114 = tpu.memref_slice %arg6[%dma_start3A_112, %dma_start3A_113] : memref<1024x32xf32, #tpu.memory_space<vmem>> -> memref<128x32xf32, #tpu.memory_space<vmem>>
      %dma_start3A_115 = arith.constant 0 : i32
      %dma_start3A_116 = tpu.memref_slice %arg5[%dma_start3A_111, %dma_start3A_115] : memref<8x128xi32, #tpu.memory_space<vmem>> -> memref<1x128xi32, #tpu.memory_space<vmem>>
      %dma_start3A_117 = tpu.memref_squeeze %dma_start3A_116 : memref<1x128xi32, #tpu.memory_space<vmem>> -> memref<128xi32, #tpu.memory_space<vmem>>
      %dma_start3A_118 = arith.constant 0 : i32
      %dma_start3A_119 = arith.constant 0 : i32
      %dma_start3A_120 = tpu.memref_slice %arg3[%dma_start3A_118, %dma_start3A_119] : memref<1000000x32xf32, #tpu.memory_space<hbm>> -> memref<1000000x32xf32, #tpu.memory_space<hbm>>
      tpu.enqueue_indirect_dma source(%dma_start3A_120 : memref<1000000x32xf32, #tpu.memory_space<hbm>>) target(%dma_start3A_114 : memref<128x32xf32, #tpu.memory_space<vmem>>) offsets(%dma_start3A_117 : memref<128xi32, #tpu.memory_space<vmem>>) semaphore(%arg7 : memref<!tpu.dma_semaphore, #tpu.memory_space<semaphore_mem>>)
      %dma_start3A_121 = arith.constant 5 : i32
      %dma_start3A_122 = arith.constant 640 : i32
      %dma_start3A_123 = arith.constant 0 : i32
      %dma_start3A_124 = tpu.memref_slice %arg6[%dma_start3A_122, %dma_start3A_123] : memref<1024x32xf32, #tpu.memory_space<vmem>> -> memref<128x32xf32, #tpu.memory_space<vmem>>
      %dma_start3A_125 = arith.constant 0 : i32
      %dma_start3A_126 = tpu.memref_slice %arg5[%dma_start3A_121, %dma_start3A_125] : memref<8x128xi32, #tpu.memory_space<vmem>> -> memref<1x128xi32, #tpu.memory_space<vmem>>
      %dma_start3A_127 = tpu.memref_squeeze %dma_start3A_126 : memref<1x128xi32, #tpu.memory_space<vmem>> -> memref<128xi32, #tpu.memory_space<vmem>>
      %dma_start3A_128 = arith.constant 0 : i32
      %dma_start3A_129 = arith.constant 0 : i32
      %dma_start3A_130 = tpu.memref_slice %arg3[%dma_start3A_128, %dma_start3A_129] : memref<1000000x32xf32, #tpu.memory_space<hbm>> -> memref<1000000x32xf32, #tpu.memory_space<hbm>>
      tpu.enqueue_indirect_dma source(%dma_start3A_130 : memref<1000000x32xf32, #tpu.memory_space<hbm>>) target(%dma_start3A_124 : memref<128x32xf32, #tpu.memory_space<vmem>>) offsets(%dma_start3A_127 : memref<128xi32, #tpu.memory_space<vmem>>) semaphore(%arg7 : memref<!tpu.dma_semaphore, #tpu.memory_space<semaphore_mem>>)
      %dma_start3A_131 = arith.constant 6 : i32
      %dma_start3A_132 = arith.constant 768 : i32
      %dma_start3A_133 = arith.constant 0 : i32
      %dma_start3A_134 = tpu.memref_slice %arg6[%dma_start3A_132, %dma_start3A_133] : memref<1024x32xf32, #tpu.memory_space<vmem>> -> memref<128x32xf32, #tpu.memory_space<vmem>>
      %dma_start3A_135 = arith.constant 0 : i32
      %dma_start3A_136 = tpu.memref_slice %arg5[%dma_start3A_131, %dma_start3A_135] : memref<8x128xi32, #tpu.memory_space<vmem>> -> memref<1x128xi32, #tpu.memory_space<vmem>>
      %dma_start3A_137 = tpu.memref_squeeze %dma_start3A_136 : memref<1x128xi32, #tpu.memory_space<vmem>> -> memref<128xi32, #tpu.memory_space<vmem>>
      %dma_start3A_138 = arith.constant 0 : i32
      %dma_start3A_139 = arith.constant 0 : i32
      %dma_start3A_140 = tpu.memref_slice %arg3[%dma_start3A_138, %dma_start3A_139] : memref<1000000x32xf32, #tpu.memory_space<hbm>> -> memref<1000000x32xf32, #tpu.memory_space<hbm>>
      tpu.enqueue_indirect_dma source(%dma_start3A_140 : memref<1000000x32xf32, #tpu.memory_space<hbm>>) target(%dma_start3A_134 : memref<128x32xf32, #tpu.memory_space<vmem>>) offsets(%dma_start3A_137 : memref<128xi32, #tpu.memory_space<vmem>>) semaphore(%arg7 : memref<!tpu.dma_semaphore, #tpu.memory_space<semaphore_mem>>)
      %dma_start3A_141 = arith.constant 7 : i32
      %dma_start3A_142 = arith.constant 896 : i32
      %dma_start3A_143 = arith.constant 0 : i32
      %dma_start3A_144 = tpu.memref_slice %arg6[%dma_start3A_142, %dma_start3A_143] : memref<1024x32xf32, #tpu.memory_space<vmem>> -> memref<128x32xf32, #tpu.memory_space<vmem>>
      %dma_start3A_145 = arith.constant 0 : i32
      %dma_start3A_146 = tpu.memref_slice %arg5[%dma_start3A_141, %dma_start3A_145] : memref<8x128xi32, #tpu.memory_space<vmem>> -> memref<1x128xi32, #tpu.memory_space<vmem>>
      %dma_start3A_147 = tpu.memref_squeeze %dma_start3A_146 : memref<1x128xi32, #tpu.memory_space<vmem>> -> memref<128xi32, #tpu.memory_space<vmem>>
      %dma_start3A_148 = arith.constant 0 : i32
      %dma_start3A_149 = arith.constant 0 : i32
      %dma_start3A_150 = tpu.memref_slice %arg3[%dma_start3A_148, %dma_start3A_149] : memref<1000000x32xf32, #tpu.memory_space<hbm>> -> memref<1000000x32xf32, #tpu.memory_space<hbm>>
      tpu.enqueue_indirect_dma source(%dma_start3A_150 : memref<1000000x32xf32, #tpu.memory_space<hbm>>) target(%dma_start3A_144 : memref<128x32xf32, #tpu.memory_space<vmem>>) offsets(%dma_start3A_147 : memref<128xi32, #tpu.memory_space<vmem>>) semaphore(%arg7 : memref<!tpu.dma_semaphore, #tpu.memory_space<semaphore_mem>>)
      %dma_wait3A = arith.constant 0 : i32
      %dma_wait3A_151 = arith.constant 0 : i32
      %dma_wait3A_152 = arith.constant 0 : i32
      %dma_wait3A_153 = tpu.memref_slice %arg6[%dma_wait3A_151, %dma_wait3A_152] : memref<1024x32xf32, #tpu.memory_space<vmem>> -> memref<128x32xf32, #tpu.memory_space<vmem>>
      %dma_wait3A_154 = arith.constant 0 : i32
      %dma_wait3A_155 = tpu.memref_slice %arg5[%dma_wait3A, %dma_wait3A_154] : memref<8x128xi32, #tpu.memory_space<vmem>> -> memref<1x128xi32, #tpu.memory_space<vmem>>
      %dma_wait3A_156 = tpu.memref_squeeze %dma_wait3A_155 : memref<1x128xi32, #tpu.memory_space<vmem>> -> memref<128xi32, #tpu.memory_space<vmem>>
      %dma_wait3A_157 = arith.constant 0 : i32
      %dma_wait3A_158 = arith.constant 0 : i32
      %dma_wait3A_159 = tpu.memref_slice %arg3[%dma_wait3A_157, %dma_wait3A_158] : memref<1000000x32xf32, #tpu.memory_space<hbm>> -> memref<1000000x32xf32, #tpu.memory_space<hbm>>
      tpu.wait_indirect_dma semaphore(%arg7 : memref<!tpu.dma_semaphore, #tpu.memory_space<semaphore_mem>>) src(%dma_wait3A_159 : memref<1000000x32xf32, #tpu.memory_space<hbm>>) dst(%dma_wait3A_153 : memref<128x32xf32, #tpu.memory_space<vmem>>)
      %dma_wait3A_160 = arith.constant 1 : i32
      %dma_wait3A_161 = arith.constant 128 : i32
      %dma_wait3A_162 = arith.constant 0 : i32
      %dma_wait3A_163 = tpu.memref_slice %arg6[%dma_wait3A_161, %dma_wait3A_162] : memref<1024x32xf32, #tpu.memory_space<vmem>> -> memref<128x32xf32, #tpu.memory_space<vmem>>
      %dma_wait3A_164 = arith.constant 0 : i32
      %dma_wait3A_165 = tpu.memref_slice %arg5[%dma_wait3A_160, %dma_wait3A_164] : memref<8x128xi32, #tpu.memory_space<vmem>> -> memref<1x128xi32, #tpu.memory_space<vmem>>
      %dma_wait3A_166 = tpu.memref_squeeze %dma_wait3A_165 : memref<1x128xi32, #tpu.memory_space<vmem>> -> memref<128xi32, #tpu.memory_space<vmem>>
      %dma_wait3A_167 = arith.constant 0 : i32
      %dma_wait3A_168 = arith.constant 0 : i32
      %dma_wait3A_169 = tpu.memref_slice %arg3[%dma_wait3A_167, %dma_wait3A_168] : memref<1000000x32xf32, #tpu.memory_space<hbm>> -> memref<1000000x32xf32, #tpu.memory_space<hbm>>
      tpu.wait_indirect_dma semaphore(%arg7 : memref<!tpu.dma_semaphore, #tpu.memory_space<semaphore_mem>>) src(%dma_wait3A_169 : memref<1000000x32xf32, #tpu.memory_space<hbm>>) dst(%dma_wait3A_163 : memref<128x32xf32, #tpu.memory_space<vmem>>)
      %dma_wait3A_170 = arith.constant 2 : i32
      %dma_wait3A_171 = arith.constant 256 : i32
      %dma_wait3A_172 = arith.constant 0 : i32
      %dma_wait3A_173 = tpu.memref_slice %arg6[%dma_wait3A_171, %dma_wait3A_172] : memref<1024x32xf32, #tpu.memory_space<vmem>> -> memref<128x32xf32, #tpu.memory_space<vmem>>
      %dma_wait3A_174 = arith.constant 0 : i32
      %dma_wait3A_175 = tpu.memref_slice %arg5[%dma_wait3A_170, %dma_wait3A_174] : memref<8x128xi32, #tpu.memory_space<vmem>> -> memref<1x128xi32, #tpu.memory_space<vmem>>
      %dma_wait3A_176 = tpu.memref_squeeze %dma_wait3A_175 : memref<1x128xi32, #tpu.memory_space<vmem>> -> memref<128xi32, #tpu.memory_space<vmem>>
      %dma_wait3A_177 = arith.constant 0 : i32
      %dma_wait3A_178 = arith.constant 0 : i32
      %dma_wait3A_179 = tpu.memref_slice %arg3[%dma_wait3A_177, %dma_wait3A_178] : memref<1000000x32xf32, #tpu.memory_space<hbm>> -> memref<1000000x32xf32, #tpu.memory_space<hbm>>
      tpu.wait_indirect_dma semaphore(%arg7 : memref<!tpu.dma_semaphore, #tpu.memory_space<semaphore_mem>>) src(%dma_wait3A_179 : memref<1000000x32xf32, #tpu.memory_space<hbm>>) dst(%dma_wait3A_173 : memref<128x32xf32, #tpu.memory_space<vmem>>)
      %dma_wait3A_180 = arith.constant 3 : i32
      %dma_wait3A_181 = arith.constant 384 : i32
      %dma_wait3A_182 = arith.constant 0 : i32
      %dma_wait3A_183 = tpu.memref_slice %arg6[%dma_wait3A_181, %dma_wait3A_182] : memref<1024x32xf32, #tpu.memory_space<vmem>> -> memref<128x32xf32, #tpu.memory_space<vmem>>
      %dma_wait3A_184 = arith.constant 0 : i32
      %dma_wait3A_185 = tpu.memref_slice %arg5[%dma_wait3A_180, %dma_wait3A_184] : memref<8x128xi32, #tpu.memory_space<vmem>> -> memref<1x128xi32, #tpu.memory_space<vmem>>
      %dma_wait3A_186 = tpu.memref_squeeze %dma_wait3A_185 : memref<1x128xi32, #tpu.memory_space<vmem>> -> memref<128xi32, #tpu.memory_space<vmem>>
      %dma_wait3A_187 = arith.constant 0 : i32
      %dma_wait3A_188 = arith.constant 0 : i32
      %dma_wait3A_189 = tpu.memref_slice %arg3[%dma_wait3A_187, %dma_wait3A_188] : memref<1000000x32xf32, #tpu.memory_space<hbm>> -> memref<1000000x32xf32, #tpu.memory_space<hbm>>
      tpu.wait_indirect_dma semaphore(%arg7 : memref<!tpu.dma_semaphore, #tpu.memory_space<semaphore_mem>>) src(%dma_wait3A_189 : memref<1000000x32xf32, #tpu.memory_space<hbm>>) dst(%dma_wait3A_183 : memref<128x32xf32, #tpu.memory_space<vmem>>)
      %dma_wait3A_190 = arith.constant 4 : i32
      %dma_wait3A_191 = arith.constant 512 : i32
      %dma_wait3A_192 = arith.constant 0 : i32
      %dma_wait3A_193 = tpu.memref_slice %arg6[%dma_wait3A_191, %dma_wait3A_192] : memref<1024x32xf32, #tpu.memory_space<vmem>> -> memref<128x32xf32, #tpu.memory_space<vmem>>
      %dma_wait3A_194 = arith.constant 0 : i32
      %dma_wait3A_195 = tpu.memref_slice %arg5[%dma_wait3A_190, %dma_wait3A_194] : memref<8x128xi32, #tpu.memory_space<vmem>> -> memref<1x128xi32, #tpu.memory_space<vmem>>
      %dma_wait3A_196 = tpu.memref_squeeze %dma_wait3A_195 : memref<1x128xi32, #tpu.memory_space<vmem>> -> memref<128xi32, #tpu.memory_space<vmem>>
      %dma_wait3A_197 = arith.constant 0 : i32
      %dma_wait3A_198 = arith.constant 0 : i32
      %dma_wait3A_199 = tpu.memref_slice %arg3[%dma_wait3A_197, %dma_wait3A_198] : memref<1000000x32xf32, #tpu.memory_space<hbm>> -> memref<1000000x32xf32, #tpu.memory_space<hbm>>
      tpu.wait_indirect_dma semaphore(%arg7 : memref<!tpu.dma_semaphore, #tpu.memory_space<semaphore_mem>>) src(%dma_wait3A_199 : memref<1000000x32xf32, #tpu.memory_space<hbm>>) dst(%dma_wait3A_193 : memref<128x32xf32, #tpu.memory_space<vmem>>)
      %dma_wait3A_200 = arith.constant 5 : i32
      %dma_wait3A_201 = arith.constant 640 : i32
      %dma_wait3A_202 = arith.constant 0 : i32
      %dma_wait3A_203 = tpu.memref_slice %arg6[%dma_wait3A_201, %dma_wait3A_202] : memref<1024x32xf32, #tpu.memory_space<vmem>> -> memref<128x32xf32, #tpu.memory_space<vmem>>
      %dma_wait3A_204 = arith.constant 0 : i32
      %dma_wait3A_205 = tpu.memref_slice %arg5[%dma_wait3A_200, %dma_wait3A_204] : memref<8x128xi32, #tpu.memory_space<vmem>> -> memref<1x128xi32, #tpu.memory_space<vmem>>
      %dma_wait3A_206 = tpu.memref_squeeze %dma_wait3A_205 : memref<1x128xi32, #tpu.memory_space<vmem>> -> memref<128xi32, #tpu.memory_space<vmem>>
      %dma_wait3A_207 = arith.constant 0 : i32
      %dma_wait3A_208 = arith.constant 0 : i32
      %dma_wait3A_209 = tpu.memref_slice %arg3[%dma_wait3A_207, %dma_wait3A_208] : memref<1000000x32xf32, #tpu.memory_space<hbm>> -> memref<1000000x32xf32, #tpu.memory_space<hbm>>
      tpu.wait_indirect_dma semaphore(%arg7 : memref<!tpu.dma_semaphore, #tpu.memory_space<semaphore_mem>>) src(%dma_wait3A_209 : memref<1000000x32xf32, #tpu.memory_space<hbm>>) dst(%dma_wait3A_203 : memref<128x32xf32, #tpu.memory_space<vmem>>)
      %dma_wait3A_210 = arith.constant 6 : i32
      %dma_wait3A_211 = arith.constant 768 : i32
      %dma_wait3A_212 = arith.constant 0 : i32
      %dma_wait3A_213 = tpu.memref_slice %arg6[%dma_wait3A_211, %dma_wait3A_212] : memref<1024x32xf32, #tpu.memory_space<vmem>> -> memref<128x32xf32, #tpu.memory_space<vmem>>
      %dma_wait3A_214 = arith.constant 0 : i32
      %dma_wait3A_215 = tpu.memref_slice %arg5[%dma_wait3A_210, %dma_wait3A_214] : memref<8x128xi32, #tpu.memory_space<vmem>> -> memref<1x128xi32, #tpu.memory_space<vmem>>
      %dma_wait3A_216 = tpu.memref_squeeze %dma_wait3A_215 : memref<1x128xi32, #tpu.memory_space<vmem>> -> memref<128xi32, #tpu.memory_space<vmem>>
      %dma_wait3A_217 = arith.constant 0 : i32
      %dma_wait3A_218 = arith.constant 0 : i32
      %dma_wait3A_219 = tpu.memref_slice %arg3[%dma_wait3A_217, %dma_wait3A_218] : memref<1000000x32xf32, #tpu.memory_space<hbm>> -> memref<1000000x32xf32, #tpu.memory_space<hbm>>
      tpu.wait_indirect_dma semaphore(%arg7 : memref<!tpu.dma_semaphore, #tpu.memory_space<semaphore_mem>>) src(%dma_wait3A_219 : memref<1000000x32xf32, #tpu.memory_space<hbm>>) dst(%dma_wait3A_213 : memref<128x32xf32, #tpu.memory_space<vmem>>)
      %dma_wait3A_220 = arith.constant 7 : i32
      %dma_wait3A_221 = arith.constant 896 : i32
      %dma_wait3A_222 = arith.constant 0 : i32
      %dma_wait3A_223 = tpu.memref_slice %arg6[%dma_wait3A_221, %dma_wait3A_222] : memref<1024x32xf32, #tpu.memory_space<vmem>> -> memref<128x32xf32, #tpu.memory_space<vmem>>
      %dma_wait3A_224 = arith.constant 0 : i32
      %dma_wait3A_225 = tpu.memref_slice %arg5[%dma_wait3A_220, %dma_wait3A_224] : memref<8x128xi32, #tpu.memory_space<vmem>> -> memref<1x128xi32, #tpu.memory_space<vmem>>
      %dma_wait3A_226 = tpu.memref_squeeze %dma_wait3A_225 : memref<1x128xi32, #tpu.memory_space<vmem>> -> memref<128xi32, #tpu.memory_space<vmem>>
      %dma_wait3A_227 = arith.constant 0 : i32
      %dma_wait3A_228 = arith.constant 0 : i32
      %dma_wait3A_229 = tpu.memref_slice %arg3[%dma_wait3A_227, %dma_wait3A_228] : memref<1000000x32xf32, #tpu.memory_space<hbm>> -> memref<1000000x32xf32, #tpu.memory_space<hbm>>
      tpu.wait_indirect_dma semaphore(%arg7 : memref<!tpu.dma_semaphore, #tpu.memory_space<semaphore_mem>>) src(%dma_wait3A_229 : memref<1000000x32xf32, #tpu.memory_space<hbm>>) dst(%dma_wait3A_223 : memref<128x32xf32, #tpu.memory_space<vmem>>)
      %mul3A_230 = arith.constant 1024 : i32
      %mul3A_231 = arith.muli %add3A_69, %mul3A_230 : i32
      %multiple_of3A = tpu.assume_multiple %mul3A_231, 1024 : i32
      "tpu.region"() ({
        %run_scoped3A = tpu.sem_alloc : memref<!tpu.dma_semaphore, #tpu.memory_space<semaphore_mem>>
        %dma_start3A_232 = arith.constant 0 : i32
        %dma_start3A_233 = tpu.memref_slice %arg4[%multiple_of3A, %dma_start3A_232] : memref<665600x32xf32, #tpu.memory_space<hbm>> -> memref<1024x32xf32, #tpu.memory_space<hbm>>
        %dma_start3A_234 = arith.constant 0 : i32
        %dma_start3A_235 = tpu.memref_slice %arg4[%multiple_of3A, %dma_start3A_234] : memref<665600x32xf32, #tpu.memory_space<hbm>> -> memref<1024x32xf32, #tpu.memory_space<hbm>>
        tpu.enqueue_dma source(%arg6 : memref<1024x32xf32, #tpu.memory_space<vmem>>) target(%dma_start3A_235 : memref<1024x32xf32, #tpu.memory_space<hbm>>) target_semaphore(%run_scoped3A : memref<!tpu.dma_semaphore, #tpu.memory_space<semaphore_mem>>)
        %dma_wait3A_236 = arith.constant 0 : i32
        %dma_wait3A_237 = tpu.memref_slice %arg4[%multiple_of3A, %dma_wait3A_236] : memref<665600x32xf32, #tpu.memory_space<hbm>> -> memref<1024x32xf32, #tpu.memory_space<hbm>>
        %dma_wait3A_238 = arith.constant 0 : i32
        %dma_wait3A_239 = tpu.memref_slice %arg4[%multiple_of3A, %dma_wait3A_238] : memref<665600x32xf32, #tpu.memory_space<hbm>> -> memref<1024x32xf32, #tpu.memory_space<hbm>>
        tpu.wait_dma2 semaphore(%run_scoped3A : memref<!tpu.dma_semaphore, #tpu.memory_space<semaphore_mem>>) src(%arg6 : memref<1024x32xf32, #tpu.memory_space<vmem>>) dst(%dma_wait3A_239 : memref<1024x32xf32, #tpu.memory_space<hbm>>)
        tpu.yield
      }) : () -> ()
    }
    %while3A_65 = arith.constant 1 : i32
    scf.for %while3A_66 = %while3A_63 to %while3A_59 step %while3A_65  : i32 {
      %mul3A_67 = arith.muli %while3A_66, %while3A : i32
      %add3A_68 = arith.addi %while3A_56, %mul3A_67 : i32
      %add3A_69 = arith.addi %select_n3A, %add3A_68 : i32
      %add3A_70 = arith.constant 650 : i32
      %add3A_71 = arith.addi %add3A_70, %add3A_69 : i32
      "tpu.region"() ({
        %run_scoped3A = tpu.sem_alloc : memref<!tpu.dma_semaphore, #tpu.memory_space<semaphore_mem>>
        %dma_start3A_232 = arith.constant 0 : i32
        %dma_start3A_233 = arith.constant 0 : i32
        %dma_start3A_234 = tpu.memref_slice %arg2[%add3A_71, %dma_start3A_232, %dma_start3A_233] : memref<1300x8x128xi32, #tpu.memory_space<hbm>> -> memref<1x8x128xi32, #tpu.memory_space<hbm>>
        %dma_start3A_235 = tpu.memref_squeeze %dma_start3A_234 : memref<1x8x128xi32, #tpu.memory_space<hbm>> -> memref<8x128xi32, #tpu.memory_space<hbm>>
        %dma_start3A_236 = arith.constant 0 : i32
        %dma_start3A_237 = arith.constant 0 : i32
        %dma_start3A_238 = tpu.memref_slice %arg2[%add3A_71, %dma_start3A_236, %dma_start3A_237] : memref<1300x8x128xi32, #tpu.memory_space<hbm>> -> memref<1x8x128xi32, #tpu.memory_space<hbm>>
        %dma_start3A_239 = tpu.memref_squeeze %dma_start3A_238 : memref<1x8x128xi32, #tpu.memory_space<hbm>> -> memref<8x128xi32, #tpu.memory_space<hbm>>
        tpu.enqueue_dma source(%dma_start3A_239 : memref<8x128xi32, #tpu.memory_space<hbm>>) target(%arg5 : memref<8x128xi32, #tpu.memory_space<vmem>>) target_semaphore(%run_scoped3A : memref<!tpu.dma_semaphore, #tpu.memory_space<semaphore_mem>>)
        %dma_wait3A_240 = arith.constant 0 : i32
        %dma_wait3A_241 = arith.constant 0 : i32
        %dma_wait3A_242 = tpu.memref_slice %arg2[%add3A_71, %dma_wait3A_240, %dma_wait3A_241] : memref<1300x8x128xi32, #tpu.memory_space<hbm>> -> memref<1x8x128xi32, #tpu.memory_space<hbm>>
        %dma_wait3A_243 = tpu.memref_squeeze %dma_wait3A_242 : memref<1x8x128xi32, #tpu.memory_space<hbm>> -> memref<8x128xi32, #tpu.memory_space<hbm>>
        %dma_wait3A_244 = arith.constant 0 : i32
        %dma_wait3A_245 = arith.constant 0 : i32
        %dma_wait3A_246 = tpu.memref_slice %arg2[%add3A_71, %dma_wait3A_244, %dma_wait3A_245] : memref<1300x8x128xi32, #tpu.memory_space<hbm>> -> memref<1x8x128xi32, #tpu.memory_space<hbm>>
        %dma_wait3A_247 = tpu.memref_squeeze %dma_wait3A_246 : memref<1x8x128xi32, #tpu.memory_space<hbm>> -> memref<8x128xi32, #tpu.memory_space<hbm>>
        tpu.wait_dma2 semaphore(%run_scoped3A : memref<!tpu.dma_semaphore, #tpu.memory_space<semaphore_mem>>) src(%dma_wait3A_247 : memref<8x128xi32, #tpu.memory_space<hbm>>) dst(%arg5 : memref<8x128xi32, #tpu.memory_space<vmem>>)
        tpu.yield
      }) : () -> ()
      %dma_start3A = arith.constant 0 : i32
      %dma_start3A_72 = arith.constant 0 : i32
      %dma_start3A_73 = arith.constant 0 : i32
      %dma_start3A_74 = tpu.memref_slice %arg6[%dma_start3A_72, %dma_start3A_73] : memref<1024x32xf32, #tpu.memory_space<vmem>> -> memref<128x32xf32, #tpu.memory_space<vmem>>
      %dma_start3A_75 = arith.constant 0 : i32
      %dma_start3A_76 = tpu.memref_slice %arg5[%dma_start3A, %dma_start3A_75] : memref<8x128xi32, #tpu.memory_space<vmem>> -> memref<1x128xi32, #tpu.memory_space<vmem>>
      %dma_start3A_77 = tpu.memref_squeeze %dma_start3A_76 : memref<1x128xi32, #tpu.memory_space<vmem>> -> memref<128xi32, #tpu.memory_space<vmem>>
      %dma_start3A_78 = arith.constant 0 : i32
      %dma_start3A_79 = arith.constant 0 : i32
      %dma_start3A_80 = tpu.memref_slice %arg3[%dma_start3A_78, %dma_start3A_79] : memref<1000000x32xf32, #tpu.memory_space<hbm>> -> memref<1000000x32xf32, #tpu.memory_space<hbm>>
      tpu.enqueue_indirect_dma source(%dma_start3A_80 : memref<1000000x32xf32, #tpu.memory_space<hbm>>) target(%dma_start3A_74 : memref<128x32xf32, #tpu.memory_space<vmem>>) offsets(%dma_start3A_77 : memref<128xi32, #tpu.memory_space<vmem>>) semaphore(%arg7 : memref<!tpu.dma_semaphore, #tpu.memory_space<semaphore_mem>>)
      %dma_start3A_81 = arith.constant 1 : i32
      %dma_start3A_82 = arith.constant 128 : i32
      %dma_start3A_83 = arith.constant 0 : i32
      %dma_start3A_84 = tpu.memref_slice %arg6[%dma_start3A_82, %dma_start3A_83] : memref<1024x32xf32, #tpu.memory_space<vmem>> -> memref<128x32xf32, #tpu.memory_space<vmem>>
      %dma_start3A_85 = arith.constant 0 : i32
      %dma_start3A_86 = tpu.memref_slice %arg5[%dma_start3A_81, %dma_start3A_85] : memref<8x128xi32, #tpu.memory_space<vmem>> -> memref<1x128xi32, #tpu.memory_space<vmem>>
      %dma_start3A_87 = tpu.memref_squeeze %dma_start3A_86 : memref<1x128xi32, #tpu.memory_space<vmem>> -> memref<128xi32, #tpu.memory_space<vmem>>
      %dma_start3A_88 = arith.constant 0 : i32
      %dma_start3A_89 = arith.constant 0 : i32
      %dma_start3A_90 = tpu.memref_slice %arg3[%dma_start3A_88, %dma_start3A_89] : memref<1000000x32xf32, #tpu.memory_space<hbm>> -> memref<1000000x32xf32, #tpu.memory_space<hbm>>
      tpu.enqueue_indirect_dma source(%dma_start3A_90 : memref<1000000x32xf32, #tpu.memory_space<hbm>>) target(%dma_start3A_84 : memref<128x32xf32, #tpu.memory_space<vmem>>) offsets(%dma_start3A_87 : memref<128xi32, #tpu.memory_space<vmem>>) semaphore(%arg7 : memref<!tpu.dma_semaphore, #tpu.memory_space<semaphore_mem>>)
      %dma_start3A_91 = arith.constant 2 : i32
      %dma_start3A_92 = arith.constant 256 : i32
      %dma_start3A_93 = arith.constant 0 : i32
      %dma_start3A_94 = tpu.memref_slice %arg6[%dma_start3A_92, %dma_start3A_93] : memref<1024x32xf32, #tpu.memory_space<vmem>> -> memref<128x32xf32, #tpu.memory_space<vmem>>
      %dma_start3A_95 = arith.constant 0 : i32
      %dma_start3A_96 = tpu.memref_slice %arg5[%dma_start3A_91, %dma_start3A_95] : memref<8x128xi32, #tpu.memory_space<vmem>> -> memref<1x128xi32, #tpu.memory_space<vmem>>
      %dma_start3A_97 = tpu.memref_squeeze %dma_start3A_96 : memref<1x128xi32, #tpu.memory_space<vmem>> -> memref<128xi32, #tpu.memory_space<vmem>>
      %dma_start3A_98 = arith.constant 0 : i32
      %dma_start3A_99 = arith.constant 0 : i32
      %dma_start3A_100 = tpu.memref_slice %arg3[%dma_start3A_98, %dma_start3A_99] : memref<1000000x32xf32, #tpu.memory_space<hbm>> -> memref<1000000x32xf32, #tpu.memory_space<hbm>>
      tpu.enqueue_indirect_dma source(%dma_start3A_100 : memref<1000000x32xf32, #tpu.memory_space<hbm>>) target(%dma_start3A_94 : memref<128x32xf32, #tpu.memory_space<vmem>>) offsets(%dma_start3A_97 : memref<128xi32, #tpu.memory_space<vmem>>) semaphore(%arg7 : memref<!tpu.dma_semaphore, #tpu.memory_space<semaphore_mem>>)
      %dma_start3A_101 = arith.constant 3 : i32
      %dma_start3A_102 = arith.constant 384 : i32
      %dma_start3A_103 = arith.constant 0 : i32
      %dma_start3A_104 = tpu.memref_slice %arg6[%dma_start3A_102, %dma_start3A_103] : memref<1024x32xf32, #tpu.memory_space<vmem>> -> memref<128x32xf32, #tpu.memory_space<vmem>>
      %dma_start3A_105 = arith.constant 0 : i32
      %dma_start3A_106 = tpu.memref_slice %arg5[%dma_start3A_101, %dma_start3A_105] : memref<8x128xi32, #tpu.memory_space<vmem>> -> memref<1x128xi32, #tpu.memory_space<vmem>>
      %dma_start3A_107 = tpu.memref_squeeze %dma_start3A_106 : memref<1x128xi32, #tpu.memory_space<vmem>> -> memref<128xi32, #tpu.memory_space<vmem>>
      %dma_start3A_108 = arith.constant 0 : i32
      %dma_start3A_109 = arith.constant 0 : i32
      %dma_start3A_110 = tpu.memref_slice %arg3[%dma_start3A_108, %dma_start3A_109] : memref<1000000x32xf32, #tpu.memory_space<hbm>> -> memref<1000000x32xf32, #tpu.memory_space<hbm>>
      tpu.enqueue_indirect_dma source(%dma_start3A_110 : memref<1000000x32xf32, #tpu.memory_space<hbm>>) target(%dma_start3A_104 : memref<128x32xf32, #tpu.memory_space<vmem>>) offsets(%dma_start3A_107 : memref<128xi32, #tpu.memory_space<vmem>>) semaphore(%arg7 : memref<!tpu.dma_semaphore, #tpu.memory_space<semaphore_mem>>)
      %dma_start3A_111 = arith.constant 4 : i32
      %dma_start3A_112 = arith.constant 512 : i32
      %dma_start3A_113 = arith.constant 0 : i32
      %dma_start3A_114 = tpu.memref_slice %arg6[%dma_start3A_112, %dma_start3A_113] : memref<1024x32xf32, #tpu.memory_space<vmem>> -> memref<128x32xf32, #tpu.memory_space<vmem>>
      %dma_start3A_115 = arith.constant 0 : i32
      %dma_start3A_116 = tpu.memref_slice %arg5[%dma_start3A_111, %dma_start3A_115] : memref<8x128xi32, #tpu.memory_space<vmem>> -> memref<1x128xi32, #tpu.memory_space<vmem>>
      %dma_start3A_117 = tpu.memref_squeeze %dma_start3A_116 : memref<1x128xi32, #tpu.memory_space<vmem>> -> memref<128xi32, #tpu.memory_space<vmem>>
      %dma_start3A_118 = arith.constant 0 : i32
      %dma_start3A_119 = arith.constant 0 : i32
      %dma_start3A_120 = tpu.memref_slice %arg3[%dma_start3A_118, %dma_start3A_119] : memref<1000000x32xf32, #tpu.memory_space<hbm>> -> memref<1000000x32xf32, #tpu.memory_space<hbm>>
      tpu.enqueue_indirect_dma source(%dma_start3A_120 : memref<1000000x32xf32, #tpu.memory_space<hbm>>) target(%dma_start3A_114 : memref<128x32xf32, #tpu.memory_space<vmem>>) offsets(%dma_start3A_117 : memref<128xi32, #tpu.memory_space<vmem>>) semaphore(%arg7 : memref<!tpu.dma_semaphore, #tpu.memory_space<semaphore_mem>>)
      %dma_start3A_121 = arith.constant 5 : i32
      %dma_start3A_122 = arith.constant 640 : i32
      %dma_start3A_123 = arith.constant 0 : i32
      %dma_start3A_124 = tpu.memref_slice %arg6[%dma_start3A_122, %dma_start3A_123] : memref<1024x32xf32, #tpu.memory_space<vmem>> -> memref<128x32xf32, #tpu.memory_space<vmem>>
      %dma_start3A_125 = arith.constant 0 : i32
      %dma_start3A_126 = tpu.memref_slice %arg5[%dma_start3A_121, %dma_start3A_125] : memref<8x128xi32, #tpu.memory_space<vmem>> -> memref<1x128xi32, #tpu.memory_space<vmem>>
      %dma_start3A_127 = tpu.memref_squeeze %dma_start3A_126 : memref<1x128xi32, #tpu.memory_space<vmem>> -> memref<128xi32, #tpu.memory_space<vmem>>
      %dma_start3A_128 = arith.constant 0 : i32
      %dma_start3A_129 = arith.constant 0 : i32
      %dma_start3A_130 = tpu.memref_slice %arg3[%dma_start3A_128, %dma_start3A_129] : memref<1000000x32xf32, #tpu.memory_space<hbm>> -> memref<1000000x32xf32, #tpu.memory_space<hbm>>
      tpu.enqueue_indirect_dma source(%dma_start3A_130 : memref<1000000x32xf32, #tpu.memory_space<hbm>>) target(%dma_start3A_124 : memref<128x32xf32, #tpu.memory_space<vmem>>) offsets(%dma_start3A_127 : memref<128xi32, #tpu.memory_space<vmem>>) semaphore(%arg7 : memref<!tpu.dma_semaphore, #tpu.memory_space<semaphore_mem>>)
      %dma_start3A_131 = arith.constant 6 : i32
      %dma_start3A_132 = arith.constant 768 : i32
      %dma_start3A_133 = arith.constant 0 : i32
      %dma_start3A_134 = tpu.memref_slice %arg6[%dma_start3A_132, %dma_start3A_133] : memref<1024x32xf32, #tpu.memory_space<vmem>> -> memref<128x32xf32, #tpu.memory_space<vmem>>
      %dma_start3A_135 = arith.constant 0 : i32
      %dma_start3A_136 = tpu.memref_slice %arg5[%dma_start3A_131, %dma_start3A_135] : memref<8x128xi32, #tpu.memory_space<vmem>> -> memref<1x128xi32, #tpu.memory_space<vmem>>
      %dma_start3A_137 = tpu.memref_squeeze %dma_start3A_136 : memref<1x128xi32, #tpu.memory_space<vmem>> -> memref<128xi32, #tpu.memory_space<vmem>>
      %dma_start3A_138 = arith.constant 0 : i32
      %dma_start3A_139 = arith.constant 0 : i32
      %dma_start3A_140 = tpu.memref_slice %arg3[%dma_start3A_138, %dma_start3A_139] : memref<1000000x32xf32, #tpu.memory_space<hbm>> -> memref<1000000x32xf32, #tpu.memory_space<hbm>>
      tpu.enqueue_indirect_dma source(%dma_start3A_140 : memref<1000000x32xf32, #tpu.memory_space<hbm>>) target(%dma_start3A_134 : memref<128x32xf32, #tpu.memory_space<vmem>>) offsets(%dma_start3A_137 : memref<128xi32, #tpu.memory_space<vmem>>) semaphore(%arg7 : memref<!tpu.dma_semaphore, #tpu.memory_space<semaphore_mem>>)
      %dma_start3A_141 = arith.constant 7 : i32
      %dma_start3A_142 = arith.constant 896 : i32
      %dma_start3A_143 = arith.constant 0 : i32
      %dma_start3A_144 = tpu.memref_slice %arg6[%dma_start3A_142, %dma_start3A_143] : memref<1024x32xf32, #tpu.memory_space<vmem>> -> memref<128x32xf32, #tpu.memory_space<vmem>>
      %dma_start3A_145 = arith.constant 0 : i32
      %dma_start3A_146 = tpu.memref_slice %arg5[%dma_start3A_141, %dma_start3A_145] : memref<8x128xi32, #tpu.memory_space<vmem>> -> memref<1x128xi32, #tpu.memory_space<vmem>>
      %dma_start3A_147 = tpu.memref_squeeze %dma_start3A_146 : memref<1x128xi32, #tpu.memory_space<vmem>> -> memref<128xi32, #tpu.memory_space<vmem>>
      %dma_start3A_148 = arith.constant 0 : i32
      %dma_start3A_149 = arith.constant 0 : i32
      %dma_start3A_150 = tpu.memref_slice %arg3[%dma_start3A_148, %dma_start3A_149] : memref<1000000x32xf32, #tpu.memory_space<hbm>> -> memref<1000000x32xf32, #tpu.memory_space<hbm>>
      tpu.enqueue_indirect_dma source(%dma_start3A_150 : memref<1000000x32xf32, #tpu.memory_space<hbm>>) target(%dma_start3A_144 : memref<128x32xf32, #tpu.memory_space<vmem>>) offsets(%dma_start3A_147 : memref<128xi32, #tpu.memory_space<vmem>>) semaphore(%arg7 : memref<!tpu.dma_semaphore, #tpu.memory_space<semaphore_mem>>)
      %dma_wait3A = arith.constant 0 : i32
      %dma_wait3A_151 = arith.constant 0 : i32
      %dma_wait3A_152 = arith.constant 0 : i32
      %dma_wait3A_153 = tpu.memref_slice %arg6[%dma_wait3A_151, %dma_wait3A_152] : memref<1024x32xf32, #tpu.memory_space<vmem>> -> memref<128x32xf32, #tpu.memory_space<vmem>>
      %dma_wait3A_154 = arith.constant 0 : i32
      %dma_wait3A_155 = tpu.memref_slice %arg5[%dma_wait3A, %dma_wait3A_154] : memref<8x128xi32, #tpu.memory_space<vmem>> -> memref<1x128xi32, #tpu.memory_space<vmem>>
      %dma_wait3A_156 = tpu.memref_squeeze %dma_wait3A_155 : memref<1x128xi32, #tpu.memory_space<vmem>> -> memref<128xi32, #tpu.memory_space<vmem>>
      %dma_wait3A_157 = arith.constant 0 : i32
      %dma_wait3A_158 = arith.constant 0 : i32
      %dma_wait3A_159 = tpu.memref_slice %arg3[%dma_wait3A_157, %dma_wait3A_158] : memref<1000000x32xf32, #tpu.memory_space<hbm>> -> memref<1000000x32xf32, #tpu.memory_space<hbm>>
      tpu.wait_indirect_dma semaphore(%arg7 : memref<!tpu.dma_semaphore, #tpu.memory_space<semaphore_mem>>) src(%dma_wait3A_159 : memref<1000000x32xf32, #tpu.memory_space<hbm>>) dst(%dma_wait3A_153 : memref<128x32xf32, #tpu.memory_space<vmem>>)
      %dma_wait3A_160 = arith.constant 1 : i32
      %dma_wait3A_161 = arith.constant 128 : i32
      %dma_wait3A_162 = arith.constant 0 : i32
      %dma_wait3A_163 = tpu.memref_slice %arg6[%dma_wait3A_161, %dma_wait3A_162] : memref<1024x32xf32, #tpu.memory_space<vmem>> -> memref<128x32xf32, #tpu.memory_space<vmem>>
      %dma_wait3A_164 = arith.constant 0 : i32
      %dma_wait3A_165 = tpu.memref_slice %arg5[%dma_wait3A_160, %dma_wait3A_164] : memref<8x128xi32, #tpu.memory_space<vmem>> -> memref<1x128xi32, #tpu.memory_space<vmem>>
      %dma_wait3A_166 = tpu.memref_squeeze %dma_wait3A_165 : memref<1x128xi32, #tpu.memory_space<vmem>> -> memref<128xi32, #tpu.memory_space<vmem>>
      %dma_wait3A_167 = arith.constant 0 : i32
      %dma_wait3A_168 = arith.constant 0 : i32
      %dma_wait3A_169 = tpu.memref_slice %arg3[%dma_wait3A_167, %dma_wait3A_168] : memref<1000000x32xf32, #tpu.memory_space<hbm>> -> memref<1000000x32xf32, #tpu.memory_space<hbm>>
      tpu.wait_indirect_dma semaphore(%arg7 : memref<!tpu.dma_semaphore, #tpu.memory_space<semaphore_mem>>) src(%dma_wait3A_169 : memref<1000000x32xf32, #tpu.memory_space<hbm>>) dst(%dma_wait3A_163 : memref<128x32xf32, #tpu.memory_space<vmem>>)
      %dma_wait3A_170 = arith.constant 2 : i32
      %dma_wait3A_171 = arith.constant 256 : i32
      %dma_wait3A_172 = arith.constant 0 : i32
      %dma_wait3A_173 = tpu.memref_slice %arg6[%dma_wait3A_171, %dma_wait3A_172] : memref<1024x32xf32, #tpu.memory_space<vmem>> -> memref<128x32xf32, #tpu.memory_space<vmem>>
      %dma_wait3A_174 = arith.constant 0 : i32
      %dma_wait3A_175 = tpu.memref_slice %arg5[%dma_wait3A_170, %dma_wait3A_174] : memref<8x128xi32, #tpu.memory_space<vmem>> -> memref<1x128xi32, #tpu.memory_space<vmem>>
      %dma_wait3A_176 = tpu.memref_squeeze %dma_wait3A_175 : memref<1x128xi32, #tpu.memory_space<vmem>> -> memref<128xi32, #tpu.memory_space<vmem>>
      %dma_wait3A_177 = arith.constant 0 : i32
      %dma_wait3A_178 = arith.constant 0 : i32
      %dma_wait3A_179 = tpu.memref_slice %arg3[%dma_wait3A_177, %dma_wait3A_178] : memref<1000000x32xf32, #tpu.memory_space<hbm>> -> memref<1000000x32xf32, #tpu.memory_space<hbm>>
      tpu.wait_indirect_dma semaphore(%arg7 : memref<!tpu.dma_semaphore, #tpu.memory_space<semaphore_mem>>) src(%dma_wait3A_179 : memref<1000000x32xf32, #tpu.memory_space<hbm>>) dst(%dma_wait3A_173 : memref<128x32xf32, #tpu.memory_space<vmem>>)
      %dma_wait3A_180 = arith.constant 3 : i32
      %dma_wait3A_181 = arith.constant 384 : i32
      %dma_wait3A_182 = arith.constant 0 : i32
      %dma_wait3A_183 = tpu.memref_slice %arg6[%dma_wait3A_181, %dma_wait3A_182] : memref<1024x32xf32, #tpu.memory_space<vmem>> -> memref<128x32xf32, #tpu.memory_space<vmem>>
      %dma_wait3A_184 = arith.constant 0 : i32
      %dma_wait3A_185 = tpu.memref_slice %arg5[%dma_wait3A_180, %dma_wait3A_184] : memref<8x128xi32, #tpu.memory_space<vmem>> -> memref<1x128xi32, #tpu.memory_space<vmem>>
      %dma_wait3A_186 = tpu.memref_squeeze %dma_wait3A_185 : memref<1x128xi32, #tpu.memory_space<vmem>> -> memref<128xi32, #tpu.memory_space<vmem>>
      %dma_wait3A_187 = arith.constant 0 : i32
      %dma_wait3A_188 = arith.constant 0 : i32
      %dma_wait3A_189 = tpu.memref_slice %arg3[%dma_wait3A_187, %dma_wait3A_188] : memref<1000000x32xf32, #tpu.memory_space<hbm>> -> memref<1000000x32xf32, #tpu.memory_space<hbm>>
      tpu.wait_indirect_dma semaphore(%arg7 : memref<!tpu.dma_semaphore, #tpu.memory_space<semaphore_mem>>) src(%dma_wait3A_189 : memref<1000000x32xf32, #tpu.memory_space<hbm>>) dst(%dma_wait3A_183 : memref<128x32xf32, #tpu.memory_space<vmem>>)
      %dma_wait3A_190 = arith.constant 4 : i32
      %dma_wait3A_191 = arith.constant 512 : i32
      %dma_wait3A_192 = arith.constant 0 : i32
      %dma_wait3A_193 = tpu.memref_slice %arg6[%dma_wait3A_191, %dma_wait3A_192] : memref<1024x32xf32, #tpu.memory_space<vmem>> -> memref<128x32xf32, #tpu.memory_space<vmem>>
      %dma_wait3A_194 = arith.constant 0 : i32
      %dma_wait3A_195 = tpu.memref_slice %arg5[%dma_wait3A_190, %dma_wait3A_194] : memref<8x128xi32, #tpu.memory_space<vmem>> -> memref<1x128xi32, #tpu.memory_space<vmem>>
      %dma_wait3A_196 = tpu.memref_squeeze %dma_wait3A_195 : memref<1x128xi32, #tpu.memory_space<vmem>> -> memref<128xi32, #tpu.memory_space<vmem>>
      %dma_wait3A_197 = arith.constant 0 : i32
      %dma_wait3A_198 = arith.constant 0 : i32
      %dma_wait3A_199 = tpu.memref_slice %arg3[%dma_wait3A_197, %dma_wait3A_198] : memref<1000000x32xf32, #tpu.memory_space<hbm>> -> memref<1000000x32xf32, #tpu.memory_space<hbm>>
      tpu.wait_indirect_dma semaphore(%arg7 : memref<!tpu.dma_semaphore, #tpu.memory_space<semaphore_mem>>) src(%dma_wait3A_199 : memref<1000000x32xf32, #tpu.memory_space<hbm>>) dst(%dma_wait3A_193 : memref<128x32xf32, #tpu.memory_space<vmem>>)
      %dma_wait3A_200 = arith.constant 5 : i32
      %dma_wait3A_201 = arith.constant 640 : i32
      %dma_wait3A_202 = arith.constant 0 : i32
      %dma_wait3A_203 = tpu.memref_slice %arg6[%dma_wait3A_201, %dma_wait3A_202] : memref<1024x32xf32, #tpu.memory_space<vmem>> -> memref<128x32xf32, #tpu.memory_space<vmem>>
      %dma_wait3A_204 = arith.constant 0 : i32
      %dma_wait3A_205 = tpu.memref_slice %arg5[%dma_wait3A_200, %dma_wait3A_204] : memref<8x128xi32, #tpu.memory_space<vmem>> -> memref<1x128xi32, #tpu.memory_space<vmem>>
      %dma_wait3A_206 = tpu.memref_squeeze %dma_wait3A_205 : memref<1x128xi32, #tpu.memory_space<vmem>> -> memref<128xi32, #tpu.memory_space<vmem>>
      %dma_wait3A_207 = arith.constant 0 : i32
      %dma_wait3A_208 = arith.constant 0 : i32
      %dma_wait3A_209 = tpu.memref_slice %arg3[%dma_wait3A_207, %dma_wait3A_208] : memref<1000000x32xf32, #tpu.memory_space<hbm>> -> memref<1000000x32xf32, #tpu.memory_space<hbm>>
      tpu.wait_indirect_dma semaphore(%arg7 : memref<!tpu.dma_semaphore, #tpu.memory_space<semaphore_mem>>) src(%dma_wait3A_209 : memref<1000000x32xf32, #tpu.memory_space<hbm>>) dst(%dma_wait3A_203 : memref<128x32xf32, #tpu.memory_space<vmem>>)
      %dma_wait3A_210 = arith.constant 6 : i32
      %dma_wait3A_211 = arith.constant 768 : i32
      %dma_wait3A_212 = arith.constant 0 : i32
      %dma_wait3A_213 = tpu.memref_slice %arg6[%dma_wait3A_211, %dma_wait3A_212] : memref<1024x32xf32, #tpu.memory_space<vmem>> -> memref<128x32xf32, #tpu.memory_space<vmem>>
      %dma_wait3A_214 = arith.constant 0 : i32
      %dma_wait3A_215 = tpu.memref_slice %arg5[%dma_wait3A_210, %dma_wait3A_214] : memref<8x128xi32, #tpu.memory_space<vmem>> -> memref<1x128xi32, #tpu.memory_space<vmem>>
      %dma_wait3A_216 = tpu.memref_squeeze %dma_wait3A_215 : memref<1x128xi32, #tpu.memory_space<vmem>> -> memref<128xi32, #tpu.memory_space<vmem>>
      %dma_wait3A_217 = arith.constant 0 : i32
      %dma_wait3A_218 = arith.constant 0 : i32
      %dma_wait3A_219 = tpu.memref_slice %arg3[%dma_wait3A_217, %dma_wait3A_218] : memref<1000000x32xf32, #tpu.memory_space<hbm>> -> memref<1000000x32xf32, #tpu.memory_space<hbm>>
      tpu.wait_indirect_dma semaphore(%arg7 : memref<!tpu.dma_semaphore, #tpu.memory_space<semaphore_mem>>) src(%dma_wait3A_219 : memref<1000000x32xf32, #tpu.memory_space<hbm>>) dst(%dma_wait3A_213 : memref<128x32xf32, #tpu.memory_space<vmem>>)
      %dma_wait3A_220 = arith.constant 7 : i32
      %dma_wait3A_221 = arith.constant 896 : i32
      %dma_wait3A_222 = arith.constant 0 : i32
      %dma_wait3A_223 = tpu.memref_slice %arg6[%dma_wait3A_221, %dma_wait3A_222] : memref<1024x32xf32, #tpu.memory_space<vmem>> -> memref<128x32xf32, #tpu.memory_space<vmem>>
      %dma_wait3A_224 = arith.constant 0 : i32
      %dma_wait3A_225 = tpu.memref_slice %arg5[%dma_wait3A_220, %dma_wait3A_224] : memref<8x128xi32, #tpu.memory_space<vmem>> -> memref<1x128xi32, #tpu.memory_space<vmem>>
      %dma_wait3A_226 = tpu.memref_squeeze %dma_wait3A_225 : memref<1x128xi32, #tpu.memory_space<vmem>> -> memref<128xi32, #tpu.memory_space<vmem>>
      %dma_wait3A_227 = arith.constant 0 : i32
      %dma_wait3A_228 = arith.constant 0 : i32
      %dma_wait3A_229 = tpu.memref_slice %arg3[%dma_wait3A_227, %dma_wait3A_228] : memref<1000000x32xf32, #tpu.memory_space<hbm>> -> memref<1000000x32xf32, #tpu.memory_space<hbm>>
      tpu.wait_indirect_dma semaphore(%arg7 : memref<!tpu.dma_semaphore, #tpu.memory_space<semaphore_mem>>) src(%dma_wait3A_229 : memref<1000000x32xf32, #tpu.memory_space<hbm>>) dst(%dma_wait3A_223 : memref<128x32xf32, #tpu.memory_space<vmem>>)
      %mul3A_230 = arith.constant 1024 : i32
      %mul3A_231 = arith.muli %add3A_69, %mul3A_230 : i32
      %multiple_of3A = tpu.assume_multiple %mul3A_231, 1024 : i32
      "tpu.region"() ({
        %run_scoped3A = tpu.sem_alloc : memref<!tpu.dma_semaphore, #tpu.memory_space<semaphore_mem>>
        %dma_start3A_232 = arith.constant 0 : i32
        %dma_start3A_233 = tpu.memref_slice %arg4[%multiple_of3A, %dma_start3A_232] : memref<665600x32xf32, #tpu.memory_space<hbm>> -> memref<1024x32xf32, #tpu.memory_space<hbm>>
        %dma_start3A_234 = arith.constant 0 : i32
        %dma_start3A_235 = tpu.memref_slice %arg4[%multiple_of3A, %dma_start3A_234] : memref<665600x32xf32, #tpu.memory_space<hbm>> -> memref<1024x32xf32, #tpu.memory_space<hbm>>
        tpu.enqueue_dma source(%arg6 : memref<1024x32xf32, #tpu.memory_space<vmem>>) target(%dma_start3A_235 : memref<1024x32xf32, #tpu.memory_space<hbm>>) target_semaphore(%run_scoped3A : memref<!tpu.dma_semaphore, #tpu.memory_space<semaphore_mem>>)
        %dma_wait3A_236 = arith.constant 0 : i32
        %dma_wait3A_237 = tpu.memref_slice %arg4[%multiple_of3A, %dma_wait3A_236] : memref<665600x32xf32, #tpu.memory_space<hbm>> -> memref<1024x32xf32, #tpu.memory_space<hbm>>
        %dma_wait3A_238 = arith.constant 0 : i32
        %dma_wait3A_239 = tpu.memref_slice %arg4[%multiple_of3A, %dma_wait3A_238] : memref<665600x32xf32, #tpu.memory_space<hbm>> -> memref<1024x32xf32, #tpu.memory_space<hbm>>
        tpu.wait_dma2 semaphore(%run_scoped3A : memref<!tpu.dma_semaphore, #tpu.memory_space<semaphore_mem>>) src(%arg6 : memref<1024x32xf32, #tpu.memory_space<vmem>>) dst(%dma_wait3A_239 : memref<1024x32xf32, #tpu.memory_space<hbm>>)
        tpu.yield
      }) : () -> ()
    }
    return
  }
}

#map = affine_map<(d0, d1) -> (0, 0, 0)>
#map1 = affine_map<(d0, d1) -> (0, 0)>
module attributes {stable_mosaic.version = 14 : i64} {
  func.func @k(%arg0: i32, %arg1: i32, %arg2: memref<1300x8x128xi32, #tpu.memory_space<hbm>>, %arg3: memref<1000000x32xf32, #tpu.memory_space<hbm>>, %arg4: memref<665600x32xf32, #tpu.memory_space<hbm>>, %arg5: memref<8x128xi32, #tpu.memory_space<vmem>>, %arg6: memref<1024x32xf32, #tpu.memory_space<vmem>>, %arg7: memref<!tpu.dma_semaphore, #tpu.memory_space<semaphore_mem>>) attributes {dimension_semantics = [#tpu.dimension_semantics<core_parallel>, #tpu.dimension_semantics<subcore_parallel>], iteration_bounds = array<i64: 2, 16>, scalar_prefetch = 0 : i64, scratch_operands = 3 : i64, tpu.core_type = #tpu.core_type<sc_vector_subcore>, window_params = [{transform_indices = #map}, {transform_indices = #map1}, {transform_indices = #map1}]} {
    %mul3A = arith.constant 2 : i32
    %mul3A_0 = arith.muli %arg1, %mul3A : i32
    %add3A = arith.addi %mul3A_0, %arg0 : i32
    %mul3A_1 = arith.constant 650 : i32
    %mul3A_2 = arith.muli %mul3A_1, %add3A : i32
    %jit3A = arith.constant 32 : i32
    %div3A = arith.divsi %mul3A_2, %jit3A : i32
    %sign3A = arith.constant 0 : i32
    %sign3A_3 = arith.cmpi sgt, %mul3A_2, %sign3A : i32
    %sign3A_4 = arith.extui %sign3A_3 : i1 to i32
    %sign3A_5 = arith.constant 0 : i32
    %sign3A_6 = arith.cmpi slt, %mul3A_2, %sign3A_5 : i32
    %sign3A_7 = arith.extui %sign3A_6 : i1 to i32
    %sign3A_8 = arith.subi %sign3A_4, %sign3A_7 : i32
    %sign3A_9 = arith.constant 0 : i32
    %sign3A_10 = arith.cmpi sgt, %jit3A, %sign3A_9 : i32
    %sign3A_11 = arith.extui %sign3A_10 : i1 to i32
    %sign3A_12 = arith.constant 0 : i32
    %sign3A_13 = arith.cmpi slt, %jit3A, %sign3A_12 : i32
    %sign3A_14 = arith.extui %sign3A_13 : i1 to i32
    %sign3A_15 = arith.subi %sign3A_11, %sign3A_14 : i32
    %ne3A = arith.cmpi ne, %sign3A_8, %sign3A_15 : i32
    %rem3A = arith.remsi %mul3A_2, %jit3A : i32
    %ne3A_16 = arith.constant 0 : i32
    %ne3A_17 = arith.cmpi ne, %rem3A, %ne3A_16 : i32
    %and3A = arith.andi %ne3A, %ne3A_17 : i1
    %sub3A = arith.constant 1 : i32
    %sub3A_18 = arith.subi %div3A, %sub3A : i32
    %select_n3A = arith.select %and3A, %sub3A_18, %div3A : i32
    %add3A_19 = arith.constant 1 : i32
    %add3A_20 = arith.addi %add3A, %add3A_19 : i32
    %mul3A_21 = arith.constant 650 : i32
    %mul3A_22 = arith.muli %mul3A_21, %add3A_20 : i32
    %jit3A_23 = arith.constant 32 : i32
    %div3A_24 = arith.divsi %mul3A_22, %jit3A_23 : i32
    %sign3A_25 = arith.constant 0 : i32
    %sign3A_26 = arith.cmpi sgt, %mul3A_22, %sign3A_25 : i32
    %sign3A_27 = arith.extui %sign3A_26 : i1 to i32
    %sign3A_28 = arith.constant 0 : i32
    %sign3A_29 = arith.cmpi slt, %mul3A_22, %sign3A_28 : i32
    %sign3A_30 = arith.extui %sign3A_29 : i1 to i32
    %sign3A_31 = arith.subi %sign3A_27, %sign3A_30 : i32
    %sign3A_32 = arith.constant 0 : i32
    %sign3A_33 = arith.cmpi sgt, %jit3A_23, %sign3A_32 : i32
    %sign3A_34 = arith.extui %sign3A_33 : i1 to i32
    %sign3A_35 = arith.constant 0 : i32
    %sign3A_36 = arith.cmpi slt, %jit3A_23, %sign3A_35 : i32
    %sign3A_37 = arith.extui %sign3A_36 : i1 to i32
    %sign3A_38 = arith.subi %sign3A_34, %sign3A_37 : i32
    %ne3A_39 = arith.cmpi ne, %sign3A_31, %sign3A_38 : i32
    %rem3A_40 = arith.remsi %mul3A_22, %jit3A_23 : i32
    %ne3A_41 = arith.constant 0 : i32
    %ne3A_42 = arith.cmpi ne, %rem3A_40, %ne3A_41 : i32
    %and3A_43 = arith.andi %ne3A_39, %ne3A_42 : i1
    %sub3A_44 = arith.constant 1 : i32
    %sub3A_45 = arith.subi %div3A_24, %sub3A_44 : i32
    %select_n3A_46 = arith.select %and3A_43, %sub3A_45, %div3A_24 : i32
    %sub3A_47 = arith.subi %select_n3A_46, %select_n3A : i32
    %sub3A_48 = arith.constant 0 : i32
    %sub3A_49 = arith.subi %sub3A_47, %sub3A_48 : i32
    %sub3A_50 = arith.constant 1 : i32
    %sub3A_51 = arith.constant 1 : i32
    %sub3A_52 = arith.subi %sub3A_50, %sub3A_51 : i32
    %add3A_53 = arith.addi %sub3A_49, %sub3A_52 : i32
    %div3A_54 = arith.constant 1 : i32
    %div3A_55 = arith.divsi %add3A_53, %div3A_54 : i32
    %while3A = arith.constant 1 : i32
    %while3A_56 = arith.constant 0 : i32
    %while3A_57 = arith.constant 0 : i32
    %while3A_58 = arith.subi %div3A_55, %while3A_57 : i32
    %while3A_59 = arith.addi %while3A_57, %while3A_58 : i32
    %while3A_60 = arith.constant 1 : i32
    %while3A_61 = arith.divsi %while3A_58, %while3A_60 : i32
    %while3A_62 = arith.muli %while3A_61, %while3A_60 : i32
    %while3A_63 = arith.addi %while3A_57, %while3A_62 : i32
    %while3A_64 = arith.constant 1 : i32
    scf.for %while3A_66 = %while3A_57 to %while3A_63 step %while3A_64  : i32 {
      %mul3A_67 = arith.muli %while3A_66, %while3A : i32
      %add3A_68 = arith.addi %while3A_56, %mul3A_67 : i32
      %add3A_69 = arith.addi %select_n3A, %add3A_68 : i32
      %add3A_70 = arith.constant 0 : i32
      %add3A_71 = arith.addi %add3A_70, %add3A_69 : i32
      "tpu.region"() ({
        %run_scoped3A = tpu.sem_alloc : memref<!tpu.dma_semaphore, #tpu.memory_space<semaphore_mem>>
        %dma_start3A_232 = arith.constant 0 : i32
        %dma_start3A_233 = arith.constant 0 : i32
        %dma_start3A_234 = tpu.memref_slice %arg2[%add3A_71, %dma_start3A_232, %dma_start3A_233] : memref<1300x8x128xi32, #tpu.memory_space<hbm>> -> memref<1x8x128xi32, #tpu.memory_space<hbm>>
        %dma_start3A_235 = tpu.memref_squeeze %dma_start3A_234 : memref<1x8x128xi32, #tpu.memory_space<hbm>> -> memref<8x128xi32, #tpu.memory_space<hbm>>
        %dma_start3A_236 = arith.constant 0 : i32
        %dma_start3A_237 = arith.constant 0 : i32
        %dma_start3A_238 = tpu.memref_slice %arg2[%add3A_71, %dma_start3A_236, %dma_start3A_237] : memref<1300x8x128xi32, #tpu.memory_space<hbm>> -> memref<1x8x128xi32, #tpu.memory_space<hbm>>
        %dma_start3A_239 = tpu.memref_squeeze %dma_start3A_238 : memref<1x8x128xi32, #tpu.memory_space<hbm>> -> memref<8x128xi32, #tpu.memory_space<hbm>>
        tpu.enqueue_dma source(%dma_start3A_239 : memref<8x128xi32, #tpu.memory_space<hbm>>) target(%arg5 : memref<8x128xi32, #tpu.memory_space<vmem>>) target_semaphore(%run_scoped3A : memref<!tpu.dma_semaphore, #tpu.memory_space<semaphore_mem>>)
        %dma_wait3A_240 = arith.constant 0 : i32
        %dma_wait3A_241 = arith.constant 0 : i32
        %dma_wait3A_242 = tpu.memref_slice %arg2[%add3A_71, %dma_wait3A_240, %dma_wait3A_241] : memref<1300x8x128xi32, #tpu.memory_space<hbm>> -> memref<1x8x128xi32, #tpu.memory_space<hbm>>
        %dma_wait3A_243 = tpu.memref_squeeze %dma_wait3A_242 : memref<1x8x128xi32, #tpu.memory_space<hbm>> -> memref<8x128xi32, #tpu.memory_space<hbm>>
        %dma_wait3A_244 = arith.constant 0 : i32
        %dma_wait3A_245 = arith.constant 0 : i32
        %dma_wait3A_246 = tpu.memref_slice %arg2[%add3A_71, %dma_wait3A_244, %dma_wait3A_245] : memref<1300x8x128xi32, #tpu.memory_space<hbm>> -> memref<1x8x128xi32, #tpu.memory_space<hbm>>
        %dma_wait3A_247 = tpu.memref_squeeze %dma_wait3A_246 : memref<1x8x128xi32, #tpu.memory_space<hbm>> -> memref<8x128xi32, #tpu.memory_space<hbm>>
        tpu.wait_dma2 semaphore(%run_scoped3A : memref<!tpu.dma_semaphore, #tpu.memory_space<semaphore_mem>>) src(%dma_wait3A_247 : memref<8x128xi32, #tpu.memory_space<hbm>>) dst(%arg5 : memref<8x128xi32, #tpu.memory_space<vmem>>)
        tpu.yield
      }) : () -> ()
      %dma_start3A = arith.constant 0 : i32
      %dma_start3A_72 = arith.constant 0 : i32
      %dma_start3A_73 = arith.constant 0 : i32
      %dma_start3A_74 = tpu.memref_slice %arg6[%dma_start3A_72, %dma_start3A_73] : memref<1024x32xf32, #tpu.memory_space<vmem>> -> memref<128x32xf32, #tpu.memory_space<vmem>>
      %dma_start3A_75 = arith.constant 0 : i32
      %dma_start3A_76 = tpu.memref_slice %arg5[%dma_start3A, %dma_start3A_75] : memref<8x128xi32, #tpu.memory_space<vmem>> -> memref<1x128xi32, #tpu.memory_space<vmem>>
      %dma_start3A_77 = tpu.memref_squeeze %dma_start3A_76 : memref<1x128xi32, #tpu.memory_space<vmem>> -> memref<128xi32, #tpu.memory_space<vmem>>
      %dma_start3A_78 = arith.constant 0 : i32
      %dma_start3A_79 = arith.constant 0 : i32
      %dma_start3A_80 = tpu.memref_slice %arg3[%dma_start3A_78, %dma_start3A_79] : memref<1000000x32xf32, #tpu.memory_space<hbm>> -> memref<1000000x32xf32, #tpu.memory_space<hbm>>
      tpu.enqueue_indirect_dma source(%dma_start3A_80 : memref<1000000x32xf32, #tpu.memory_space<hbm>>) target(%dma_start3A_74 : memref<128x32xf32, #tpu.memory_space<vmem>>) offsets(%dma_start3A_77 : memref<128xi32, #tpu.memory_space<vmem>>) semaphore(%arg7 : memref<!tpu.dma_semaphore, #tpu.memory_space<semaphore_mem>>)
      %dma_start3A_81 = arith.constant 1 : i32
      %dma_start3A_82 = arith.constant 128 : i32
      %dma_start3A_83 = arith.constant 0 : i32
      %dma_start3A_84 = tpu.memref_slice %arg6[%dma_start3A_82, %dma_start3A_83] : memref<1024x32xf32, #tpu.memory_space<vmem>> -> memref<128x32xf32, #tpu.memory_space<vmem>>
      %dma_start3A_85 = arith.constant 0 : i32
      %dma_start3A_86 = tpu.memref_slice %arg5[%dma_start3A_81, %dma_start3A_85] : memref<8x128xi32, #tpu.memory_space<vmem>> -> memref<1x128xi32, #tpu.memory_space<vmem>>
      %dma_start3A_87 = tpu.memref_squeeze %dma_start3A_86 : memref<1x128xi32, #tpu.memory_space<vmem>> -> memref<128xi32, #tpu.memory_space<vmem>>
      %dma_start3A_88 = arith.constant 0 : i32
      %dma_start3A_89 = arith.constant 0 : i32
      %dma_start3A_90 = tpu.memref_slice %arg3[%dma_start3A_88, %dma_start3A_89] : memref<1000000x32xf32, #tpu.memory_space<hbm>> -> memref<1000000x32xf32, #tpu.memory_space<hbm>>
      tpu.enqueue_indirect_dma source(%dma_start3A_90 : memref<1000000x32xf32, #tpu.memory_space<hbm>>) target(%dma_start3A_84 : memref<128x32xf32, #tpu.memory_space<vmem>>) offsets(%dma_start3A_87 : memref<128xi32, #tpu.memory_space<vmem>>) semaphore(%arg7 : memref<!tpu.dma_semaphore, #tpu.memory_space<semaphore_mem>>)
      %dma_start3A_91 = arith.constant 2 : i32
      %dma_start3A_92 = arith.constant 256 : i32
      %dma_start3A_93 = arith.constant 0 : i32
      %dma_start3A_94 = tpu.memref_slice %arg6[%dma_start3A_92, %dma_start3A_93] : memref<1024x32xf32, #tpu.memory_space<vmem>> -> memref<128x32xf32, #tpu.memory_space<vmem>>
      %dma_start3A_95 = arith.constant 0 : i32
      %dma_start3A_96 = tpu.memref_slice %arg5[%dma_start3A_91, %dma_start3A_95] : memref<8x128xi32, #tpu.memory_space<vmem>> -> memref<1x128xi32, #tpu.memory_space<vmem>>
      %dma_start3A_97 = tpu.memref_squeeze %dma_start3A_96 : memref<1x128xi32, #tpu.memory_space<vmem>> -> memref<128xi32, #tpu.memory_space<vmem>>
      %dma_start3A_98 = arith.constant 0 : i32
      %dma_start3A_99 = arith.constant 0 : i32
      %dma_start3A_100 = tpu.memref_slice %arg3[%dma_start3A_98, %dma_start3A_99] : memref<1000000x32xf32, #tpu.memory_space<hbm>> -> memref<1000000x32xf32, #tpu.memory_space<hbm>>
      tpu.enqueue_indirect_dma source(%dma_start3A_100 : memref<1000000x32xf32, #tpu.memory_space<hbm>>) target(%dma_start3A_94 : memref<128x32xf32, #tpu.memory_space<vmem>>) offsets(%dma_start3A_97 : memref<128xi32, #tpu.memory_space<vmem>>) semaphore(%arg7 : memref<!tpu.dma_semaphore, #tpu.memory_space<semaphore_mem>>)
      %dma_start3A_101 = arith.constant 3 : i32
      %dma_start3A_102 = arith.constant 384 : i32
      %dma_start3A_103 = arith.constant 0 : i32
      %dma_start3A_104 = tpu.memref_slice %arg6[%dma_start3A_102, %dma_start3A_103] : memref<1024x32xf32, #tpu.memory_space<vmem>> -> memref<128x32xf32, #tpu.memory_space<vmem>>
      %dma_start3A_105 = arith.constant 0 : i32
      %dma_start3A_106 = tpu.memref_slice %arg5[%dma_start3A_101, %dma_start3A_105] : memref<8x128xi32, #tpu.memory_space<vmem>> -> memref<1x128xi32, #tpu.memory_space<vmem>>
      %dma_start3A_107 = tpu.memref_squeeze %dma_start3A_106 : memref<1x128xi32, #tpu.memory_space<vmem>> -> memref<128xi32, #tpu.memory_space<vmem>>
      %dma_start3A_108 = arith.constant 0 : i32
      %dma_start3A_109 = arith.constant 0 : i32
      %dma_start3A_110 = tpu.memref_slice %arg3[%dma_start3A_108, %dma_start3A_109] : memref<1000000x32xf32, #tpu.memory_space<hbm>> -> memref<1000000x32xf32, #tpu.memory_space<hbm>>
      tpu.enqueue_indirect_dma source(%dma_start3A_110 : memref<1000000x32xf32, #tpu.memory_space<hbm>>) target(%dma_start3A_104 : memref<128x32xf32, #tpu.memory_space<vmem>>) offsets(%dma_start3A_107 : memref<128xi32, #tpu.memory_space<vmem>>) semaphore(%arg7 : memref<!tpu.dma_semaphore, #tpu.memory_space<semaphore_mem>>)
      %dma_start3A_111 = arith.constant 4 : i32
      %dma_start3A_112 = arith.constant 512 : i32
      %dma_start3A_113 = arith.constant 0 : i32
      %dma_start3A_114 = tpu.memref_slice %arg6[%dma_start3A_112, %dma_start3A_113] : memref<1024x32xf32, #tpu.memory_space<vmem>> -> memref<128x32xf32, #tpu.memory_space<vmem>>
      %dma_start3A_115 = arith.constant 0 : i32
      %dma_start3A_116 = tpu.memref_slice %arg5[%dma_start3A_111, %dma_start3A_115] : memref<8x128xi32, #tpu.memory_space<vmem>> -> memref<1x128xi32, #tpu.memory_space<vmem>>
      %dma_start3A_117 = tpu.memref_squeeze %dma_start3A_116 : memref<1x128xi32, #tpu.memory_space<vmem>> -> memref<128xi32, #tpu.memory_space<vmem>>
      %dma_start3A_118 = arith.constant 0 : i32
      %dma_start3A_119 = arith.constant 0 : i32
      %dma_start3A_120 = tpu.memref_slice %arg3[%dma_start3A_118, %dma_start3A_119] : memref<1000000x32xf32, #tpu.memory_space<hbm>> -> memref<1000000x32xf32, #tpu.memory_space<hbm>>
      tpu.enqueue_indirect_dma source(%dma_start3A_120 : memref<1000000x32xf32, #tpu.memory_space<hbm>>) target(%dma_start3A_114 : memref<128x32xf32, #tpu.memory_space<vmem>>) offsets(%dma_start3A_117 : memref<128xi32, #tpu.memory_space<vmem>>) semaphore(%arg7 : memref<!tpu.dma_semaphore, #tpu.memory_space<semaphore_mem>>)
      %dma_start3A_121 = arith.constant 5 : i32
      %dma_start3A_122 = arith.constant 640 : i32
      %dma_start3A_123 = arith.constant 0 : i32
      %dma_start3A_124 = tpu.memref_slice %arg6[%dma_start3A_122, %dma_start3A_123] : memref<1024x32xf32, #tpu.memory_space<vmem>> -> memref<128x32xf32, #tpu.memory_space<vmem>>
      %dma_start3A_125 = arith.constant 0 : i32
      %dma_start3A_126 = tpu.memref_slice %arg5[%dma_start3A_121, %dma_start3A_125] : memref<8x128xi32, #tpu.memory_space<vmem>> -> memref<1x128xi32, #tpu.memory_space<vmem>>
      %dma_start3A_127 = tpu.memref_squeeze %dma_start3A_126 : memref<1x128xi32, #tpu.memory_space<vmem>> -> memref<128xi32, #tpu.memory_space<vmem>>
      %dma_start3A_128 = arith.constant 0 : i32
      %dma_start3A_129 = arith.constant 0 : i32
      %dma_start3A_130 = tpu.memref_slice %arg3[%dma_start3A_128, %dma_start3A_129] : memref<1000000x32xf32, #tpu.memory_space<hbm>> -> memref<1000000x32xf32, #tpu.memory_space<hbm>>
      tpu.enqueue_indirect_dma source(%dma_start3A_130 : memref<1000000x32xf32, #tpu.memory_space<hbm>>) target(%dma_start3A_124 : memref<128x32xf32, #tpu.memory_space<vmem>>) offsets(%dma_start3A_127 : memref<128xi32, #tpu.memory_space<vmem>>) semaphore(%arg7 : memref<!tpu.dma_semaphore, #tpu.memory_space<semaphore_mem>>)
      %dma_start3A_131 = arith.constant 6 : i32
      %dma_start3A_132 = arith.constant 768 : i32
      %dma_start3A_133 = arith.constant 0 : i32
      %dma_start3A_134 = tpu.memref_slice %arg6[%dma_start3A_132, %dma_start3A_133] : memref<1024x32xf32, #tpu.memory_space<vmem>> -> memref<128x32xf32, #tpu.memory_space<vmem>>
      %dma_start3A_135 = arith.constant 0 : i32
      %dma_start3A_136 = tpu.memref_slice %arg5[%dma_start3A_131, %dma_start3A_135] : memref<8x128xi32, #tpu.memory_space<vmem>> -> memref<1x128xi32, #tpu.memory_space<vmem>>
      %dma_start3A_137 = tpu.memref_squeeze %dma_start3A_136 : memref<1x128xi32, #tpu.memory_space<vmem>> -> memref<128xi32, #tpu.memory_space<vmem>>
      %dma_start3A_138 = arith.constant 0 : i32
      %dma_start3A_139 = arith.constant 0 : i32
      %dma_start3A_140 = tpu.memref_slice %arg3[%dma_start3A_138, %dma_start3A_139] : memref<1000000x32xf32, #tpu.memory_space<hbm>> -> memref<1000000x32xf32, #tpu.memory_space<hbm>>
      tpu.enqueue_indirect_dma source(%dma_start3A_140 : memref<1000000x32xf32, #tpu.memory_space<hbm>>) target(%dma_start3A_134 : memref<128x32xf32, #tpu.memory_space<vmem>>) offsets(%dma_start3A_137 : memref<128xi32, #tpu.memory_space<vmem>>) semaphore(%arg7 : memref<!tpu.dma_semaphore, #tpu.memory_space<semaphore_mem>>)
      %dma_start3A_141 = arith.constant 7 : i32
      %dma_start3A_142 = arith.constant 896 : i32
      %dma_start3A_143 = arith.constant 0 : i32
      %dma_start3A_144 = tpu.memref_slice %arg6[%dma_start3A_142, %dma_start3A_143] : memref<1024x32xf32, #tpu.memory_space<vmem>> -> memref<128x32xf32, #tpu.memory_space<vmem>>
      %dma_start3A_145 = arith.constant 0 : i32
      %dma_start3A_146 = tpu.memref_slice %arg5[%dma_start3A_141, %dma_start3A_145] : memref<8x128xi32, #tpu.memory_space<vmem>> -> memref<1x128xi32, #tpu.memory_space<vmem>>
      %dma_start3A_147 = tpu.memref_squeeze %dma_start3A_146 : memref<1x128xi32, #tpu.memory_space<vmem>> -> memref<128xi32, #tpu.memory_space<vmem>>
      %dma_start3A_148 = arith.constant 0 : i32
      %dma_start3A_149 = arith.constant 0 : i32
      %dma_start3A_150 = tpu.memref_slice %arg3[%dma_start3A_148, %dma_start3A_149] : memref<1000000x32xf32, #tpu.memory_space<hbm>> -> memref<1000000x32xf32, #tpu.memory_space<hbm>>
      tpu.enqueue_indirect_dma source(%dma_start3A_150 : memref<1000000x32xf32, #tpu.memory_space<hbm>>) target(%dma_start3A_144 : memref<128x32xf32, #tpu.memory_space<vmem>>) offsets(%dma_start3A_147 : memref<128xi32, #tpu.memory_space<vmem>>) semaphore(%arg7 : memref<!tpu.dma_semaphore, #tpu.memory_space<semaphore_mem>>)
      %dma_wait3A = arith.constant 0 : i32
      %dma_wait3A_151 = arith.constant 0 : i32
      %dma_wait3A_152 = arith.constant 0 : i32
      %dma_wait3A_153 = tpu.memref_slice %arg6[%dma_wait3A_151, %dma_wait3A_152] : memref<1024x32xf32, #tpu.memory_space<vmem>> -> memref<128x32xf32, #tpu.memory_space<vmem>>
      %dma_wait3A_154 = arith.constant 0 : i32
      %dma_wait3A_155 = tpu.memref_slice %arg5[%dma_wait3A, %dma_wait3A_154] : memref<8x128xi32, #tpu.memory_space<vmem>> -> memref<1x128xi32, #tpu.memory_space<vmem>>
      %dma_wait3A_156 = tpu.memref_squeeze %dma_wait3A_155 : memref<1x128xi32, #tpu.memory_space<vmem>> -> memref<128xi32, #tpu.memory_space<vmem>>
      %dma_wait3A_157 = arith.constant 0 : i32
      %dma_wait3A_158 = arith.constant 0 : i32
      %dma_wait3A_159 = tpu.memref_slice %arg3[%dma_wait3A_157, %dma_wait3A_158] : memref<1000000x32xf32, #tpu.memory_space<hbm>> -> memref<1000000x32xf32, #tpu.memory_space<hbm>>
      tpu.wait_indirect_dma semaphore(%arg7 : memref<!tpu.dma_semaphore, #tpu.memory_space<semaphore_mem>>) src(%dma_wait3A_159 : memref<1000000x32xf32, #tpu.memory_space<hbm>>) dst(%dma_wait3A_153 : memref<128x32xf32, #tpu.memory_space<vmem>>)
      %dma_wait3A_160 = arith.constant 1 : i32
      %dma_wait3A_161 = arith.constant 128 : i32
      %dma_wait3A_162 = arith.constant 0 : i32
      %dma_wait3A_163 = tpu.memref_slice %arg6[%dma_wait3A_161, %dma_wait3A_162] : memref<1024x32xf32, #tpu.memory_space<vmem>> -> memref<128x32xf32, #tpu.memory_space<vmem>>
      %dma_wait3A_164 = arith.constant 0 : i32
      %dma_wait3A_165 = tpu.memref_slice %arg5[%dma_wait3A_160, %dma_wait3A_164] : memref<8x128xi32, #tpu.memory_space<vmem>> -> memref<1x128xi32, #tpu.memory_space<vmem>>
      %dma_wait3A_166 = tpu.memref_squeeze %dma_wait3A_165 : memref<1x128xi32, #tpu.memory_space<vmem>> -> memref<128xi32, #tpu.memory_space<vmem>>
      %dma_wait3A_167 = arith.constant 0 : i32
      %dma_wait3A_168 = arith.constant 0 : i32
      %dma_wait3A_169 = tpu.memref_slice %arg3[%dma_wait3A_167, %dma_wait3A_168] : memref<1000000x32xf32, #tpu.memory_space<hbm>> -> memref<1000000x32xf32, #tpu.memory_space<hbm>>
      tpu.wait_indirect_dma semaphore(%arg7 : memref<!tpu.dma_semaphore, #tpu.memory_space<semaphore_mem>>) src(%dma_wait3A_169 : memref<1000000x32xf32, #tpu.memory_space<hbm>>) dst(%dma_wait3A_163 : memref<128x32xf32, #tpu.memory_space<vmem>>)
      %dma_wait3A_170 = arith.constant 2 : i32
      %dma_wait3A_171 = arith.constant 256 : i32
      %dma_wait3A_172 = arith.constant 0 : i32
      %dma_wait3A_173 = tpu.memref_slice %arg6[%dma_wait3A_171, %dma_wait3A_172] : memref<1024x32xf32, #tpu.memory_space<vmem>> -> memref<128x32xf32, #tpu.memory_space<vmem>>
      %dma_wait3A_174 = arith.constant 0 : i32
      %dma_wait3A_175 = tpu.memref_slice %arg5[%dma_wait3A_170, %dma_wait3A_174] : memref<8x128xi32, #tpu.memory_space<vmem>> -> memref<1x128xi32, #tpu.memory_space<vmem>>
      %dma_wait3A_176 = tpu.memref_squeeze %dma_wait3A_175 : memref<1x128xi32, #tpu.memory_space<vmem>> -> memref<128xi32, #tpu.memory_space<vmem>>
      %dma_wait3A_177 = arith.constant 0 : i32
      %dma_wait3A_178 = arith.constant 0 : i32
      %dma_wait3A_179 = tpu.memref_slice %arg3[%dma_wait3A_177, %dma_wait3A_178] : memref<1000000x32xf32, #tpu.memory_space<hbm>> -> memref<1000000x32xf32, #tpu.memory_space<hbm>>
      tpu.wait_indirect_dma semaphore(%arg7 : memref<!tpu.dma_semaphore, #tpu.memory_space<semaphore_mem>>) src(%dma_wait3A_179 : memref<1000000x32xf32, #tpu.memory_space<hbm>>) dst(%dma_wait3A_173 : memref<128x32xf32, #tpu.memory_space<vmem>>)
      %dma_wait3A_180 = arith.constant 3 : i32
      %dma_wait3A_181 = arith.constant 384 : i32
      %dma_wait3A_182 = arith.constant 0 : i32
      %dma_wait3A_183 = tpu.memref_slice %arg6[%dma_wait3A_181, %dma_wait3A_182] : memref<1024x32xf32, #tpu.memory_space<vmem>> -> memref<128x32xf32, #tpu.memory_space<vmem>>
      %dma_wait3A_184 = arith.constant 0 : i32
      %dma_wait3A_185 = tpu.memref_slice %arg5[%dma_wait3A_180, %dma_wait3A_184] : memref<8x128xi32, #tpu.memory_space<vmem>> -> memref<1x128xi32, #tpu.memory_space<vmem>>
      %dma_wait3A_186 = tpu.memref_squeeze %dma_wait3A_185 : memref<1x128xi32, #tpu.memory_space<vmem>> -> memref<128xi32, #tpu.memory_space<vmem>>
      %dma_wait3A_187 = arith.constant 0 : i32
      %dma_wait3A_188 = arith.constant 0 : i32
      %dma_wait3A_189 = tpu.memref_slice %arg3[%dma_wait3A_187, %dma_wait3A_188] : memref<1000000x32xf32, #tpu.memory_space<hbm>> -> memref<1000000x32xf32, #tpu.memory_space<hbm>>
      tpu.wait_indirect_dma semaphore(%arg7 : memref<!tpu.dma_semaphore, #tpu.memory_space<semaphore_mem>>) src(%dma_wait3A_189 : memref<1000000x32xf32, #tpu.memory_space<hbm>>) dst(%dma_wait3A_183 : memref<128x32xf32, #tpu.memory_space<vmem>>)
      %dma_wait3A_190 = arith.constant 4 : i32
      %dma_wait3A_191 = arith.constant 512 : i32
      %dma_wait3A_192 = arith.constant 0 : i32
      %dma_wait3A_193 = tpu.memref_slice %arg6[%dma_wait3A_191, %dma_wait3A_192] : memref<1024x32xf32, #tpu.memory_space<vmem>> -> memref<128x32xf32, #tpu.memory_space<vmem>>
      %dma_wait3A_194 = arith.constant 0 : i32
      %dma_wait3A_195 = tpu.memref_slice %arg5[%dma_wait3A_190, %dma_wait3A_194] : memref<8x128xi32, #tpu.memory_space<vmem>> -> memref<1x128xi32, #tpu.memory_space<vmem>>
      %dma_wait3A_196 = tpu.memref_squeeze %dma_wait3A_195 : memref<1x128xi32, #tpu.memory_space<vmem>> -> memref<128xi32, #tpu.memory_space<vmem>>
      %dma_wait3A_197 = arith.constant 0 : i32
      %dma_wait3A_198 = arith.constant 0 : i32
      %dma_wait3A_199 = tpu.memref_slice %arg3[%dma_wait3A_197, %dma_wait3A_198] : memref<1000000x32xf32, #tpu.memory_space<hbm>> -> memref<1000000x32xf32, #tpu.memory_space<hbm>>
      tpu.wait_indirect_dma semaphore(%arg7 : memref<!tpu.dma_semaphore, #tpu.memory_space<semaphore_mem>>) src(%dma_wait3A_199 : memref<1000000x32xf32, #tpu.memory_space<hbm>>) dst(%dma_wait3A_193 : memref<128x32xf32, #tpu.memory_space<vmem>>)
      %dma_wait3A_200 = arith.constant 5 : i32
      %dma_wait3A_201 = arith.constant 640 : i32
      %dma_wait3A_202 = arith.constant 0 : i32
      %dma_wait3A_203 = tpu.memref_slice %arg6[%dma_wait3A_201, %dma_wait3A_202] : memref<1024x32xf32, #tpu.memory_space<vmem>> -> memref<128x32xf32, #tpu.memory_space<vmem>>
      %dma_wait3A_204 = arith.constant 0 : i32
      %dma_wait3A_205 = tpu.memref_slice %arg5[%dma_wait3A_200, %dma_wait3A_204] : memref<8x128xi32, #tpu.memory_space<vmem>> -> memref<1x128xi32, #tpu.memory_space<vmem>>
      %dma_wait3A_206 = tpu.memref_squeeze %dma_wait3A_205 : memref<1x128xi32, #tpu.memory_space<vmem>> -> memref<128xi32, #tpu.memory_space<vmem>>
      %dma_wait3A_207 = arith.constant 0 : i32
      %dma_wait3A_208 = arith.constant 0 : i32
      %dma_wait3A_209 = tpu.memref_slice %arg3[%dma_wait3A_207, %dma_wait3A_208] : memref<1000000x32xf32, #tpu.memory_space<hbm>> -> memref<1000000x32xf32, #tpu.memory_space<hbm>>
      tpu.wait_indirect_dma semaphore(%arg7 : memref<!tpu.dma_semaphore, #tpu.memory_space<semaphore_mem>>) src(%dma_wait3A_209 : memref<1000000x32xf32, #tpu.memory_space<hbm>>) dst(%dma_wait3A_203 : memref<128x32xf32, #tpu.memory_space<vmem>>)
      %dma_wait3A_210 = arith.constant 6 : i32
      %dma_wait3A_211 = arith.constant 768 : i32
      %dma_wait3A_212 = arith.constant 0 : i32
      %dma_wait3A_213 = tpu.memref_slice %arg6[%dma_wait3A_211, %dma_wait3A_212] : memref<1024x32xf32, #tpu.memory_space<vmem>> -> memref<128x32xf32, #tpu.memory_space<vmem>>
      %dma_wait3A_214 = arith.constant 0 : i32
      %dma_wait3A_215 = tpu.memref_slice %arg5[%dma_wait3A_210, %dma_wait3A_214] : memref<8x128xi32, #tpu.memory_space<vmem>> -> memref<1x128xi32, #tpu.memory_space<vmem>>
      %dma_wait3A_216 = tpu.memref_squeeze %dma_wait3A_215 : memref<1x128xi32, #tpu.memory_space<vmem>> -> memref<128xi32, #tpu.memory_space<vmem>>
      %dma_wait3A_217 = arith.constant 0 : i32
      %dma_wait3A_218 = arith.constant 0 : i32
      %dma_wait3A_219 = tpu.memref_slice %arg3[%dma_wait3A_217, %dma_wait3A_218] : memref<1000000x32xf32, #tpu.memory_space<hbm>> -> memref<1000000x32xf32, #tpu.memory_space<hbm>>
      tpu.wait_indirect_dma semaphore(%arg7 : memref<!tpu.dma_semaphore, #tpu.memory_space<semaphore_mem>>) src(%dma_wait3A_219 : memref<1000000x32xf32, #tpu.memory_space<hbm>>) dst(%dma_wait3A_213 : memref<128x32xf32, #tpu.memory_space<vmem>>)
      %dma_wait3A_220 = arith.constant 7 : i32
      %dma_wait3A_221 = arith.constant 896 : i32
      %dma_wait3A_222 = arith.constant 0 : i32
      %dma_wait3A_223 = tpu.memref_slice %arg6[%dma_wait3A_221, %dma_wait3A_222] : memref<1024x32xf32, #tpu.memory_space<vmem>> -> memref<128x32xf32, #tpu.memory_space<vmem>>
      %dma_wait3A_224 = arith.constant 0 : i32
      %dma_wait3A_225 = tpu.memref_slice %arg5[%dma_wait3A_220, %dma_wait3A_224] : memref<8x128xi32, #tpu.memory_space<vmem>> -> memref<1x128xi32, #tpu.memory_space<vmem>>
      %dma_wait3A_226 = tpu.memref_squeeze %dma_wait3A_225 : memref<1x128xi32, #tpu.memory_space<vmem>> -> memref<128xi32, #tpu.memory_space<vmem>>
      %dma_wait3A_227 = arith.constant 0 : i32
      %dma_wait3A_228 = arith.constant 0 : i32
      %dma_wait3A_229 = tpu.memref_slice %arg3[%dma_wait3A_227, %dma_wait3A_228] : memref<1000000x32xf32, #tpu.memory_space<hbm>> -> memref<1000000x32xf32, #tpu.memory_space<hbm>>
      tpu.wait_indirect_dma semaphore(%arg7 : memref<!tpu.dma_semaphore, #tpu.memory_space<semaphore_mem>>) src(%dma_wait3A_229 : memref<1000000x32xf32, #tpu.memory_space<hbm>>) dst(%dma_wait3A_223 : memref<128x32xf32, #tpu.memory_space<vmem>>)
      %mul3A_230 = arith.constant 1024 : i32
      %mul3A_231 = arith.muli %add3A_69, %mul3A_230 : i32
      %multiple_of3A = tpu.assume_multiple %mul3A_231, 1024 : i32
      "tpu.region"() ({
        %run_scoped3A = tpu.sem_alloc : memref<!tpu.dma_semaphore, #tpu.memory_space<semaphore_mem>>
        %dma_start3A_232 = arith.constant 0 : i32
        %dma_start3A_233 = tpu.memref_slice %arg4[%multiple_of3A, %dma_start3A_232] : memref<665600x32xf32, #tpu.memory_space<hbm>> -> memref<1024x32xf32, #tpu.memory_space<hbm>>
        %dma_start3A_234 = arith.constant 0 : i32
        %dma_start3A_235 = tpu.memref_slice %arg4[%multiple_of3A, %dma_start3A_234] : memref<665600x32xf32, #tpu.memory_space<hbm>> -> memref<1024x32xf32, #tpu.memory_space<hbm>>
        tpu.enqueue_dma source(%arg6 : memref<1024x32xf32, #tpu.memory_space<vmem>>) target(%dma_start3A_235 : memref<1024x32xf32, #tpu.memory_space<hbm>>) target_semaphore(%run_scoped3A : memref<!tpu.dma_semaphore, #tpu.memory_space<semaphore_mem>>)
        %dma_wait3A_236 = arith.constant 0 : i32
        %dma_wait3A_237 = tpu.memref_slice %arg4[%multiple_of3A, %dma_wait3A_236] : memref<665600x32xf32, #tpu.memory_space<hbm>> -> memref<1024x32xf32, #tpu.memory_space<hbm>>
        %dma_wait3A_238 = arith.constant 0 : i32
        %dma_wait3A_239 = tpu.memref_slice %arg4[%multiple_of3A, %dma_wait3A_238] : memref<665600x32xf32, #tpu.memory_space<hbm>> -> memref<1024x32xf32, #tpu.memory_space<hbm>>
        tpu.wait_dma2 semaphore(%run_scoped3A : memref<!tpu.dma_semaphore, #tpu.memory_space<semaphore_mem>>) src(%arg6 : memref<1024x32xf32, #tpu.memory_space<vmem>>) dst(%dma_wait3A_239 : memref<1024x32xf32, #tpu.memory_space<hbm>>)
        tpu.yield
      }) : () -> ()
    }
    %while3A_65 = arith.constant 1 : i32
    scf.for %while3A_66 = %while3A_63 to %while3A_59 step %while3A_65  : i32 {
      %mul3A_67 = arith.muli %while3A_66, %while3A : i32
      %add3A_68 = arith.addi %while3A_56, %mul3A_67 : i32
      %add3A_69 = arith.addi %select_n3A, %add3A_68 : i32
      %add3A_70 = arith.constant 0 : i32
      %add3A_71 = arith.addi %add3A_70, %add3A_69 : i32
      "tpu.region"() ({
        %run_scoped3A = tpu.sem_alloc : memref<!tpu.dma_semaphore, #tpu.memory_space<semaphore_mem>>
        %dma_start3A_232 = arith.constant 0 : i32
        %dma_start3A_233 = arith.constant 0 : i32
        %dma_start3A_234 = tpu.memref_slice %arg2[%add3A_71, %dma_start3A_232, %dma_start3A_233] : memref<1300x8x128xi32, #tpu.memory_space<hbm>> -> memref<1x8x128xi32, #tpu.memory_space<hbm>>
        %dma_start3A_235 = tpu.memref_squeeze %dma_start3A_234 : memref<1x8x128xi32, #tpu.memory_space<hbm>> -> memref<8x128xi32, #tpu.memory_space<hbm>>
        %dma_start3A_236 = arith.constant 0 : i32
        %dma_start3A_237 = arith.constant 0 : i32
        %dma_start3A_238 = tpu.memref_slice %arg2[%add3A_71, %dma_start3A_236, %dma_start3A_237] : memref<1300x8x128xi32, #tpu.memory_space<hbm>> -> memref<1x8x128xi32, #tpu.memory_space<hbm>>
        %dma_start3A_239 = tpu.memref_squeeze %dma_start3A_238 : memref<1x8x128xi32, #tpu.memory_space<hbm>> -> memref<8x128xi32, #tpu.memory_space<hbm>>
        tpu.enqueue_dma source(%dma_start3A_239 : memref<8x128xi32, #tpu.memory_space<hbm>>) target(%arg5 : memref<8x128xi32, #tpu.memory_space<vmem>>) target_semaphore(%run_scoped3A : memref<!tpu.dma_semaphore, #tpu.memory_space<semaphore_mem>>)
        %dma_wait3A_240 = arith.constant 0 : i32
        %dma_wait3A_241 = arith.constant 0 : i32
        %dma_wait3A_242 = tpu.memref_slice %arg2[%add3A_71, %dma_wait3A_240, %dma_wait3A_241] : memref<1300x8x128xi32, #tpu.memory_space<hbm>> -> memref<1x8x128xi32, #tpu.memory_space<hbm>>
        %dma_wait3A_243 = tpu.memref_squeeze %dma_wait3A_242 : memref<1x8x128xi32, #tpu.memory_space<hbm>> -> memref<8x128xi32, #tpu.memory_space<hbm>>
        %dma_wait3A_244 = arith.constant 0 : i32
        %dma_wait3A_245 = arith.constant 0 : i32
        %dma_wait3A_246 = tpu.memref_slice %arg2[%add3A_71, %dma_wait3A_244, %dma_wait3A_245] : memref<1300x8x128xi32, #tpu.memory_space<hbm>> -> memref<1x8x128xi32, #tpu.memory_space<hbm>>
        %dma_wait3A_247 = tpu.memref_squeeze %dma_wait3A_246 : memref<1x8x128xi32, #tpu.memory_space<hbm>> -> memref<8x128xi32, #tpu.memory_space<hbm>>
        tpu.wait_dma2 semaphore(%run_scoped3A : memref<!tpu.dma_semaphore, #tpu.memory_space<semaphore_mem>>) src(%dma_wait3A_247 : memref<8x128xi32, #tpu.memory_space<hbm>>) dst(%arg5 : memref<8x128xi32, #tpu.memory_space<vmem>>)
        tpu.yield
      }) : () -> ()
      %dma_start3A = arith.constant 0 : i32
      %dma_start3A_72 = arith.constant 0 : i32
      %dma_start3A_73 = arith.constant 0 : i32
      %dma_start3A_74 = tpu.memref_slice %arg6[%dma_start3A_72, %dma_start3A_73] : memref<1024x32xf32, #tpu.memory_space<vmem>> -> memref<128x32xf32, #tpu.memory_space<vmem>>
      %dma_start3A_75 = arith.constant 0 : i32
      %dma_start3A_76 = tpu.memref_slice %arg5[%dma_start3A, %dma_start3A_75] : memref<8x128xi32, #tpu.memory_space<vmem>> -> memref<1x128xi32, #tpu.memory_space<vmem>>
      %dma_start3A_77 = tpu.memref_squeeze %dma_start3A_76 : memref<1x128xi32, #tpu.memory_space<vmem>> -> memref<128xi32, #tpu.memory_space<vmem>>
      %dma_start3A_78 = arith.constant 0 : i32
      %dma_start3A_79 = arith.constant 0 : i32
      %dma_start3A_80 = tpu.memref_slice %arg3[%dma_start3A_78, %dma_start3A_79] : memref<1000000x32xf32, #tpu.memory_space<hbm>> -> memref<1000000x32xf32, #tpu.memory_space<hbm>>
      tpu.enqueue_indirect_dma source(%dma_start3A_80 : memref<1000000x32xf32, #tpu.memory_space<hbm>>) target(%dma_start3A_74 : memref<128x32xf32, #tpu.memory_space<vmem>>) offsets(%dma_start3A_77 : memref<128xi32, #tpu.memory_space<vmem>>) semaphore(%arg7 : memref<!tpu.dma_semaphore, #tpu.memory_space<semaphore_mem>>)
      %dma_start3A_81 = arith.constant 1 : i32
      %dma_start3A_82 = arith.constant 128 : i32
      %dma_start3A_83 = arith.constant 0 : i32
      %dma_start3A_84 = tpu.memref_slice %arg6[%dma_start3A_82, %dma_start3A_83] : memref<1024x32xf32, #tpu.memory_space<vmem>> -> memref<128x32xf32, #tpu.memory_space<vmem>>
      %dma_start3A_85 = arith.constant 0 : i32
      %dma_start3A_86 = tpu.memref_slice %arg5[%dma_start3A_81, %dma_start3A_85] : memref<8x128xi32, #tpu.memory_space<vmem>> -> memref<1x128xi32, #tpu.memory_space<vmem>>
      %dma_start3A_87 = tpu.memref_squeeze %dma_start3A_86 : memref<1x128xi32, #tpu.memory_space<vmem>> -> memref<128xi32, #tpu.memory_space<vmem>>
      %dma_start3A_88 = arith.constant 0 : i32
      %dma_start3A_89 = arith.constant 0 : i32
      %dma_start3A_90 = tpu.memref_slice %arg3[%dma_start3A_88, %dma_start3A_89] : memref<1000000x32xf32, #tpu.memory_space<hbm>> -> memref<1000000x32xf32, #tpu.memory_space<hbm>>
      tpu.enqueue_indirect_dma source(%dma_start3A_90 : memref<1000000x32xf32, #tpu.memory_space<hbm>>) target(%dma_start3A_84 : memref<128x32xf32, #tpu.memory_space<vmem>>) offsets(%dma_start3A_87 : memref<128xi32, #tpu.memory_space<vmem>>) semaphore(%arg7 : memref<!tpu.dma_semaphore, #tpu.memory_space<semaphore_mem>>)
      %dma_start3A_91 = arith.constant 2 : i32
      %dma_start3A_92 = arith.constant 256 : i32
      %dma_start3A_93 = arith.constant 0 : i32
      %dma_start3A_94 = tpu.memref_slice %arg6[%dma_start3A_92, %dma_start3A_93] : memref<1024x32xf32, #tpu.memory_space<vmem>> -> memref<128x32xf32, #tpu.memory_space<vmem>>
      %dma_start3A_95 = arith.constant 0 : i32
      %dma_start3A_96 = tpu.memref_slice %arg5[%dma_start3A_91, %dma_start3A_95] : memref<8x128xi32, #tpu.memory_space<vmem>> -> memref<1x128xi32, #tpu.memory_space<vmem>>
      %dma_start3A_97 = tpu.memref_squeeze %dma_start3A_96 : memref<1x128xi32, #tpu.memory_space<vmem>> -> memref<128xi32, #tpu.memory_space<vmem>>
      %dma_start3A_98 = arith.constant 0 : i32
      %dma_start3A_99 = arith.constant 0 : i32
      %dma_start3A_100 = tpu.memref_slice %arg3[%dma_start3A_98, %dma_start3A_99] : memref<1000000x32xf32, #tpu.memory_space<hbm>> -> memref<1000000x32xf32, #tpu.memory_space<hbm>>
      tpu.enqueue_indirect_dma source(%dma_start3A_100 : memref<1000000x32xf32, #tpu.memory_space<hbm>>) target(%dma_start3A_94 : memref<128x32xf32, #tpu.memory_space<vmem>>) offsets(%dma_start3A_97 : memref<128xi32, #tpu.memory_space<vmem>>) semaphore(%arg7 : memref<!tpu.dma_semaphore, #tpu.memory_space<semaphore_mem>>)
      %dma_start3A_101 = arith.constant 3 : i32
      %dma_start3A_102 = arith.constant 384 : i32
      %dma_start3A_103 = arith.constant 0 : i32
      %dma_start3A_104 = tpu.memref_slice %arg6[%dma_start3A_102, %dma_start3A_103] : memref<1024x32xf32, #tpu.memory_space<vmem>> -> memref<128x32xf32, #tpu.memory_space<vmem>>
      %dma_start3A_105 = arith.constant 0 : i32
      %dma_start3A_106 = tpu.memref_slice %arg5[%dma_start3A_101, %dma_start3A_105] : memref<8x128xi32, #tpu.memory_space<vmem>> -> memref<1x128xi32, #tpu.memory_space<vmem>>
      %dma_start3A_107 = tpu.memref_squeeze %dma_start3A_106 : memref<1x128xi32, #tpu.memory_space<vmem>> -> memref<128xi32, #tpu.memory_space<vmem>>
      %dma_start3A_108 = arith.constant 0 : i32
      %dma_start3A_109 = arith.constant 0 : i32
      %dma_start3A_110 = tpu.memref_slice %arg3[%dma_start3A_108, %dma_start3A_109] : memref<1000000x32xf32, #tpu.memory_space<hbm>> -> memref<1000000x32xf32, #tpu.memory_space<hbm>>
      tpu.enqueue_indirect_dma source(%dma_start3A_110 : memref<1000000x32xf32, #tpu.memory_space<hbm>>) target(%dma_start3A_104 : memref<128x32xf32, #tpu.memory_space<vmem>>) offsets(%dma_start3A_107 : memref<128xi32, #tpu.memory_space<vmem>>) semaphore(%arg7 : memref<!tpu.dma_semaphore, #tpu.memory_space<semaphore_mem>>)
      %dma_start3A_111 = arith.constant 4 : i32
      %dma_start3A_112 = arith.constant 512 : i32
      %dma_start3A_113 = arith.constant 0 : i32
      %dma_start3A_114 = tpu.memref_slice %arg6[%dma_start3A_112, %dma_start3A_113] : memref<1024x32xf32, #tpu.memory_space<vmem>> -> memref<128x32xf32, #tpu.memory_space<vmem>>
      %dma_start3A_115 = arith.constant 0 : i32
      %dma_start3A_116 = tpu.memref_slice %arg5[%dma_start3A_111, %dma_start3A_115] : memref<8x128xi32, #tpu.memory_space<vmem>> -> memref<1x128xi32, #tpu.memory_space<vmem>>
      %dma_start3A_117 = tpu.memref_squeeze %dma_start3A_116 : memref<1x128xi32, #tpu.memory_space<vmem>> -> memref<128xi32, #tpu.memory_space<vmem>>
      %dma_start3A_118 = arith.constant 0 : i32
      %dma_start3A_119 = arith.constant 0 : i32
      %dma_start3A_120 = tpu.memref_slice %arg3[%dma_start3A_118, %dma_start3A_119] : memref<1000000x32xf32, #tpu.memory_space<hbm>> -> memref<1000000x32xf32, #tpu.memory_space<hbm>>
      tpu.enqueue_indirect_dma source(%dma_start3A_120 : memref<1000000x32xf32, #tpu.memory_space<hbm>>) target(%dma_start3A_114 : memref<128x32xf32, #tpu.memory_space<vmem>>) offsets(%dma_start3A_117 : memref<128xi32, #tpu.memory_space<vmem>>) semaphore(%arg7 : memref<!tpu.dma_semaphore, #tpu.memory_space<semaphore_mem>>)
      %dma_start3A_121 = arith.constant 5 : i32
      %dma_start3A_122 = arith.constant 640 : i32
      %dma_start3A_123 = arith.constant 0 : i32
      %dma_start3A_124 = tpu.memref_slice %arg6[%dma_start3A_122, %dma_start3A_123] : memref<1024x32xf32, #tpu.memory_space<vmem>> -> memref<128x32xf32, #tpu.memory_space<vmem>>
      %dma_start3A_125 = arith.constant 0 : i32
      %dma_start3A_126 = tpu.memref_slice %arg5[%dma_start3A_121, %dma_start3A_125] : memref<8x128xi32, #tpu.memory_space<vmem>> -> memref<1x128xi32, #tpu.memory_space<vmem>>
      %dma_start3A_127 = tpu.memref_squeeze %dma_start3A_126 : memref<1x128xi32, #tpu.memory_space<vmem>> -> memref<128xi32, #tpu.memory_space<vmem>>
      %dma_start3A_128 = arith.constant 0 : i32
      %dma_start3A_129 = arith.constant 0 : i32
      %dma_start3A_130 = tpu.memref_slice %arg3[%dma_start3A_128, %dma_start3A_129] : memref<1000000x32xf32, #tpu.memory_space<hbm>> -> memref<1000000x32xf32, #tpu.memory_space<hbm>>
      tpu.enqueue_indirect_dma source(%dma_start3A_130 : memref<1000000x32xf32, #tpu.memory_space<hbm>>) target(%dma_start3A_124 : memref<128x32xf32, #tpu.memory_space<vmem>>) offsets(%dma_start3A_127 : memref<128xi32, #tpu.memory_space<vmem>>) semaphore(%arg7 : memref<!tpu.dma_semaphore, #tpu.memory_space<semaphore_mem>>)
      %dma_start3A_131 = arith.constant 6 : i32
      %dma_start3A_132 = arith.constant 768 : i32
      %dma_start3A_133 = arith.constant 0 : i32
      %dma_start3A_134 = tpu.memref_slice %arg6[%dma_start3A_132, %dma_start3A_133] : memref<1024x32xf32, #tpu.memory_space<vmem>> -> memref<128x32xf32, #tpu.memory_space<vmem>>
      %dma_start3A_135 = arith.constant 0 : i32
      %dma_start3A_136 = tpu.memref_slice %arg5[%dma_start3A_131, %dma_start3A_135] : memref<8x128xi32, #tpu.memory_space<vmem>> -> memref<1x128xi32, #tpu.memory_space<vmem>>
      %dma_start3A_137 = tpu.memref_squeeze %dma_start3A_136 : memref<1x128xi32, #tpu.memory_space<vmem>> -> memref<128xi32, #tpu.memory_space<vmem>>
      %dma_start3A_138 = arith.constant 0 : i32
      %dma_start3A_139 = arith.constant 0 : i32
      %dma_start3A_140 = tpu.memref_slice %arg3[%dma_start3A_138, %dma_start3A_139] : memref<1000000x32xf32, #tpu.memory_space<hbm>> -> memref<1000000x32xf32, #tpu.memory_space<hbm>>
      tpu.enqueue_indirect_dma source(%dma_start3A_140 : memref<1000000x32xf32, #tpu.memory_space<hbm>>) target(%dma_start3A_134 : memref<128x32xf32, #tpu.memory_space<vmem>>) offsets(%dma_start3A_137 : memref<128xi32, #tpu.memory_space<vmem>>) semaphore(%arg7 : memref<!tpu.dma_semaphore, #tpu.memory_space<semaphore_mem>>)
      %dma_start3A_141 = arith.constant 7 : i32
      %dma_start3A_142 = arith.constant 896 : i32
      %dma_start3A_143 = arith.constant 0 : i32
      %dma_start3A_144 = tpu.memref_slice %arg6[%dma_start3A_142, %dma_start3A_143] : memref<1024x32xf32, #tpu.memory_space<vmem>> -> memref<128x32xf32, #tpu.memory_space<vmem>>
      %dma_start3A_145 = arith.constant 0 : i32
      %dma_start3A_146 = tpu.memref_slice %arg5[%dma_start3A_141, %dma_start3A_145] : memref<8x128xi32, #tpu.memory_space<vmem>> -> memref<1x128xi32, #tpu.memory_space<vmem>>
      %dma_start3A_147 = tpu.memref_squeeze %dma_start3A_146 : memref<1x128xi32, #tpu.memory_space<vmem>> -> memref<128xi32, #tpu.memory_space<vmem>>
      %dma_start3A_148 = arith.constant 0 : i32
      %dma_start3A_149 = arith.constant 0 : i32
      %dma_start3A_150 = tpu.memref_slice %arg3[%dma_start3A_148, %dma_start3A_149] : memref<1000000x32xf32, #tpu.memory_space<hbm>> -> memref<1000000x32xf32, #tpu.memory_space<hbm>>
      tpu.enqueue_indirect_dma source(%dma_start3A_150 : memref<1000000x32xf32, #tpu.memory_space<hbm>>) target(%dma_start3A_144 : memref<128x32xf32, #tpu.memory_space<vmem>>) offsets(%dma_start3A_147 : memref<128xi32, #tpu.memory_space<vmem>>) semaphore(%arg7 : memref<!tpu.dma_semaphore, #tpu.memory_space<semaphore_mem>>)
      %dma_wait3A = arith.constant 0 : i32
      %dma_wait3A_151 = arith.constant 0 : i32
      %dma_wait3A_152 = arith.constant 0 : i32
      %dma_wait3A_153 = tpu.memref_slice %arg6[%dma_wait3A_151, %dma_wait3A_152] : memref<1024x32xf32, #tpu.memory_space<vmem>> -> memref<128x32xf32, #tpu.memory_space<vmem>>
      %dma_wait3A_154 = arith.constant 0 : i32
      %dma_wait3A_155 = tpu.memref_slice %arg5[%dma_wait3A, %dma_wait3A_154] : memref<8x128xi32, #tpu.memory_space<vmem>> -> memref<1x128xi32, #tpu.memory_space<vmem>>
      %dma_wait3A_156 = tpu.memref_squeeze %dma_wait3A_155 : memref<1x128xi32, #tpu.memory_space<vmem>> -> memref<128xi32, #tpu.memory_space<vmem>>
      %dma_wait3A_157 = arith.constant 0 : i32
      %dma_wait3A_158 = arith.constant 0 : i32
      %dma_wait3A_159 = tpu.memref_slice %arg3[%dma_wait3A_157, %dma_wait3A_158] : memref<1000000x32xf32, #tpu.memory_space<hbm>> -> memref<1000000x32xf32, #tpu.memory_space<hbm>>
      tpu.wait_indirect_dma semaphore(%arg7 : memref<!tpu.dma_semaphore, #tpu.memory_space<semaphore_mem>>) src(%dma_wait3A_159 : memref<1000000x32xf32, #tpu.memory_space<hbm>>) dst(%dma_wait3A_153 : memref<128x32xf32, #tpu.memory_space<vmem>>)
      %dma_wait3A_160 = arith.constant 1 : i32
      %dma_wait3A_161 = arith.constant 128 : i32
      %dma_wait3A_162 = arith.constant 0 : i32
      %dma_wait3A_163 = tpu.memref_slice %arg6[%dma_wait3A_161, %dma_wait3A_162] : memref<1024x32xf32, #tpu.memory_space<vmem>> -> memref<128x32xf32, #tpu.memory_space<vmem>>
      %dma_wait3A_164 = arith.constant 0 : i32
      %dma_wait3A_165 = tpu.memref_slice %arg5[%dma_wait3A_160, %dma_wait3A_164] : memref<8x128xi32, #tpu.memory_space<vmem>> -> memref<1x128xi32, #tpu.memory_space<vmem>>
      %dma_wait3A_166 = tpu.memref_squeeze %dma_wait3A_165 : memref<1x128xi32, #tpu.memory_space<vmem>> -> memref<128xi32, #tpu.memory_space<vmem>>
      %dma_wait3A_167 = arith.constant 0 : i32
      %dma_wait3A_168 = arith.constant 0 : i32
      %dma_wait3A_169 = tpu.memref_slice %arg3[%dma_wait3A_167, %dma_wait3A_168] : memref<1000000x32xf32, #tpu.memory_space<hbm>> -> memref<1000000x32xf32, #tpu.memory_space<hbm>>
      tpu.wait_indirect_dma semaphore(%arg7 : memref<!tpu.dma_semaphore, #tpu.memory_space<semaphore_mem>>) src(%dma_wait3A_169 : memref<1000000x32xf32, #tpu.memory_space<hbm>>) dst(%dma_wait3A_163 : memref<128x32xf32, #tpu.memory_space<vmem>>)
      %dma_wait3A_170 = arith.constant 2 : i32
      %dma_wait3A_171 = arith.constant 256 : i32
      %dma_wait3A_172 = arith.constant 0 : i32
      %dma_wait3A_173 = tpu.memref_slice %arg6[%dma_wait3A_171, %dma_wait3A_172] : memref<1024x32xf32, #tpu.memory_space<vmem>> -> memref<128x32xf32, #tpu.memory_space<vmem>>
      %dma_wait3A_174 = arith.constant 0 : i32
      %dma_wait3A_175 = tpu.memref_slice %arg5[%dma_wait3A_170, %dma_wait3A_174] : memref<8x128xi32, #tpu.memory_space<vmem>> -> memref<1x128xi32, #tpu.memory_space<vmem>>
      %dma_wait3A_176 = tpu.memref_squeeze %dma_wait3A_175 : memref<1x128xi32, #tpu.memory_space<vmem>> -> memref<128xi32, #tpu.memory_space<vmem>>
      %dma_wait3A_177 = arith.constant 0 : i32
      %dma_wait3A_178 = arith.constant 0 : i32
      %dma_wait3A_179 = tpu.memref_slice %arg3[%dma_wait3A_177, %dma_wait3A_178] : memref<1000000x32xf32, #tpu.memory_space<hbm>> -> memref<1000000x32xf32, #tpu.memory_space<hbm>>
      tpu.wait_indirect_dma semaphore(%arg7 : memref<!tpu.dma_semaphore, #tpu.memory_space<semaphore_mem>>) src(%dma_wait3A_179 : memref<1000000x32xf32, #tpu.memory_space<hbm>>) dst(%dma_wait3A_173 : memref<128x32xf32, #tpu.memory_space<vmem>>)
      %dma_wait3A_180 = arith.constant 3 : i32
      %dma_wait3A_181 = arith.constant 384 : i32
      %dma_wait3A_182 = arith.constant 0 : i32
      %dma_wait3A_183 = tpu.memref_slice %arg6[%dma_wait3A_181, %dma_wait3A_182] : memref<1024x32xf32, #tpu.memory_space<vmem>> -> memref<128x32xf32, #tpu.memory_space<vmem>>
      %dma_wait3A_184 = arith.constant 0 : i32
      %dma_wait3A_185 = tpu.memref_slice %arg5[%dma_wait3A_180, %dma_wait3A_184] : memref<8x128xi32, #tpu.memory_space<vmem>> -> memref<1x128xi32, #tpu.memory_space<vmem>>
      %dma_wait3A_186 = tpu.memref_squeeze %dma_wait3A_185 : memref<1x128xi32, #tpu.memory_space<vmem>> -> memref<128xi32, #tpu.memory_space<vmem>>
      %dma_wait3A_187 = arith.constant 0 : i32
      %dma_wait3A_188 = arith.constant 0 : i32
      %dma_wait3A_189 = tpu.memref_slice %arg3[%dma_wait3A_187, %dma_wait3A_188] : memref<1000000x32xf32, #tpu.memory_space<hbm>> -> memref<1000000x32xf32, #tpu.memory_space<hbm>>
      tpu.wait_indirect_dma semaphore(%arg7 : memref<!tpu.dma_semaphore, #tpu.memory_space<semaphore_mem>>) src(%dma_wait3A_189 : memref<1000000x32xf32, #tpu.memory_space<hbm>>) dst(%dma_wait3A_183 : memref<128x32xf32, #tpu.memory_space<vmem>>)
      %dma_wait3A_190 = arith.constant 4 : i32
      %dma_wait3A_191 = arith.constant 512 : i32
      %dma_wait3A_192 = arith.constant 0 : i32
      %dma_wait3A_193 = tpu.memref_slice %arg6[%dma_wait3A_191, %dma_wait3A_192] : memref<1024x32xf32, #tpu.memory_space<vmem>> -> memref<128x32xf32, #tpu.memory_space<vmem>>
      %dma_wait3A_194 = arith.constant 0 : i32
      %dma_wait3A_195 = tpu.memref_slice %arg5[%dma_wait3A_190, %dma_wait3A_194] : memref<8x128xi32, #tpu.memory_space<vmem>> -> memref<1x128xi32, #tpu.memory_space<vmem>>
      %dma_wait3A_196 = tpu.memref_squeeze %dma_wait3A_195 : memref<1x128xi32, #tpu.memory_space<vmem>> -> memref<128xi32, #tpu.memory_space<vmem>>
      %dma_wait3A_197 = arith.constant 0 : i32
      %dma_wait3A_198 = arith.constant 0 : i32
      %dma_wait3A_199 = tpu.memref_slice %arg3[%dma_wait3A_197, %dma_wait3A_198] : memref<1000000x32xf32, #tpu.memory_space<hbm>> -> memref<1000000x32xf32, #tpu.memory_space<hbm>>
      tpu.wait_indirect_dma semaphore(%arg7 : memref<!tpu.dma_semaphore, #tpu.memory_space<semaphore_mem>>) src(%dma_wait3A_199 : memref<1000000x32xf32, #tpu.memory_space<hbm>>) dst(%dma_wait3A_193 : memref<128x32xf32, #tpu.memory_space<vmem>>)
      %dma_wait3A_200 = arith.constant 5 : i32
      %dma_wait3A_201 = arith.constant 640 : i32
      %dma_wait3A_202 = arith.constant 0 : i32
      %dma_wait3A_203 = tpu.memref_slice %arg6[%dma_wait3A_201, %dma_wait3A_202] : memref<1024x32xf32, #tpu.memory_space<vmem>> -> memref<128x32xf32, #tpu.memory_space<vmem>>
      %dma_wait3A_204 = arith.constant 0 : i32
      %dma_wait3A_205 = tpu.memref_slice %arg5[%dma_wait3A_200, %dma_wait3A_204] : memref<8x128xi32, #tpu.memory_space<vmem>> -> memref<1x128xi32, #tpu.memory_space<vmem>>
      %dma_wait3A_206 = tpu.memref_squeeze %dma_wait3A_205 : memref<1x128xi32, #tpu.memory_space<vmem>> -> memref<128xi32, #tpu.memory_space<vmem>>
      %dma_wait3A_207 = arith.constant 0 : i32
      %dma_wait3A_208 = arith.constant 0 : i32
      %dma_wait3A_209 = tpu.memref_slice %arg3[%dma_wait3A_207, %dma_wait3A_208] : memref<1000000x32xf32, #tpu.memory_space<hbm>> -> memref<1000000x32xf32, #tpu.memory_space<hbm>>
      tpu.wait_indirect_dma semaphore(%arg7 : memref<!tpu.dma_semaphore, #tpu.memory_space<semaphore_mem>>) src(%dma_wait3A_209 : memref<1000000x32xf32, #tpu.memory_space<hbm>>) dst(%dma_wait3A_203 : memref<128x32xf32, #tpu.memory_space<vmem>>)
      %dma_wait3A_210 = arith.constant 6 : i32
      %dma_wait3A_211 = arith.constant 768 : i32
      %dma_wait3A_212 = arith.constant 0 : i32
      %dma_wait3A_213 = tpu.memref_slice %arg6[%dma_wait3A_211, %dma_wait3A_212] : memref<1024x32xf32, #tpu.memory_space<vmem>> -> memref<128x32xf32, #tpu.memory_space<vmem>>
      %dma_wait3A_214 = arith.constant 0 : i32
      %dma_wait3A_215 = tpu.memref_slice %arg5[%dma_wait3A_210, %dma_wait3A_214] : memref<8x128xi32, #tpu.memory_space<vmem>> -> memref<1x128xi32, #tpu.memory_space<vmem>>
      %dma_wait3A_216 = tpu.memref_squeeze %dma_wait3A_215 : memref<1x128xi32, #tpu.memory_space<vmem>> -> memref<128xi32, #tpu.memory_space<vmem>>
      %dma_wait3A_217 = arith.constant 0 : i32
      %dma_wait3A_218 = arith.constant 0 : i32
      %dma_wait3A_219 = tpu.memref_slice %arg3[%dma_wait3A_217, %dma_wait3A_218] : memref<1000000x32xf32, #tpu.memory_space<hbm>> -> memref<1000000x32xf32, #tpu.memory_space<hbm>>
      tpu.wait_indirect_dma semaphore(%arg7 : memref<!tpu.dma_semaphore, #tpu.memory_space<semaphore_mem>>) src(%dma_wait3A_219 : memref<1000000x32xf32, #tpu.memory_space<hbm>>) dst(%dma_wait3A_213 : memref<128x32xf32, #tpu.memory_space<vmem>>)
      %dma_wait3A_220 = arith.constant 7 : i32
      %dma_wait3A_221 = arith.constant 896 : i32
      %dma_wait3A_222 = arith.constant 0 : i32
      %dma_wait3A_223 = tpu.memref_slice %arg6[%dma_wait3A_221, %dma_wait3A_222] : memref<1024x32xf32, #tpu.memory_space<vmem>> -> memref<128x32xf32, #tpu.memory_space<vmem>>
      %dma_wait3A_224 = arith.constant 0 : i32
      %dma_wait3A_225 = tpu.memref_slice %arg5[%dma_wait3A_220, %dma_wait3A_224] : memref<8x128xi32, #tpu.memory_space<vmem>> -> memref<1x128xi32, #tpu.memory_space<vmem>>
      %dma_wait3A_226 = tpu.memref_squeeze %dma_wait3A_225 : memref<1x128xi32, #tpu.memory_space<vmem>> -> memref<128xi32, #tpu.memory_space<vmem>>
      %dma_wait3A_227 = arith.constant 0 : i32
      %dma_wait3A_228 = arith.constant 0 : i32
      %dma_wait3A_229 = tpu.memref_slice %arg3[%dma_wait3A_227, %dma_wait3A_228] : memref<1000000x32xf32, #tpu.memory_space<hbm>> -> memref<1000000x32xf32, #tpu.memory_space<hbm>>
      tpu.wait_indirect_dma semaphore(%arg7 : memref<!tpu.dma_semaphore, #tpu.memory_space<semaphore_mem>>) src(%dma_wait3A_229 : memref<1000000x32xf32, #tpu.memory_space<hbm>>) dst(%dma_wait3A_223 : memref<128x32xf32, #tpu.memory_space<vmem>>)
      %mul3A_230 = arith.constant 1024 : i32
      %mul3A_231 = arith.muli %add3A_69, %mul3A_230 : i32
      %multiple_of3A = tpu.assume_multiple %mul3A_231, 1024 : i32
      "tpu.region"() ({
        %run_scoped3A = tpu.sem_alloc : memref<!tpu.dma_semaphore, #tpu.memory_space<semaphore_mem>>
        %dma_start3A_232 = arith.constant 0 : i32
        %dma_start3A_233 = tpu.memref_slice %arg4[%multiple_of3A, %dma_start3A_232] : memref<665600x32xf32, #tpu.memory_space<hbm>> -> memref<1024x32xf32, #tpu.memory_space<hbm>>
        %dma_start3A_234 = arith.constant 0 : i32
        %dma_start3A_235 = tpu.memref_slice %arg4[%multiple_of3A, %dma_start3A_234] : memref<665600x32xf32, #tpu.memory_space<hbm>> -> memref<1024x32xf32, #tpu.memory_space<hbm>>
        tpu.enqueue_dma source(%arg6 : memref<1024x32xf32, #tpu.memory_space<vmem>>) target(%dma_start3A_235 : memref<1024x32xf32, #tpu.memory_space<hbm>>) target_semaphore(%run_scoped3A : memref<!tpu.dma_semaphore, #tpu.memory_space<semaphore_mem>>)
        %dma_wait3A_236 = arith.constant 0 : i32
        %dma_wait3A_237 = tpu.memref_slice %arg4[%multiple_of3A, %dma_wait3A_236] : memref<665600x32xf32, #tpu.memory_space<hbm>> -> memref<1024x32xf32, #tpu.memory_space<hbm>>
        %dma_wait3A_238 = arith.constant 0 : i32
        %dma_wait3A_239 = tpu.memref_slice %arg4[%multiple_of3A, %dma_wait3A_238] : memref<665600x32xf32, #tpu.memory_space<hbm>> -> memref<1024x32xf32, #tpu.memory_space<hbm>>
        tpu.wait_dma2 semaphore(%run_scoped3A : memref<!tpu.dma_semaphore, #tpu.memory_space<semaphore_mem>>) src(%arg6 : memref<1024x32xf32, #tpu.memory_space<vmem>>) dst(%dma_wait3A_239 : memref<1024x32xf32, #tpu.memory_space<hbm>>)
        tpu.yield
      }) : () -> ()
    }
    return
  }
}

module attributes {stable_mosaic.version = 14 : i64} {
  func.func @_tc_body(%arg0: i32, %arg1: i32, %arg2: memref<6400x128xf32, #tpu.memory_space<vmem>>, %arg3: memref<1x25x1x128xf32, #tpu.memory_space<vmem>>, %arg4: memref<1x25x1x128xf32, #tpu.memory_space<vmem>>, %arg5: memref<1x128xf32, #tpu.memory_space<vmem>>, %arg6: memref<1x128xf32, #tpu.memory_space<vmem>>, %arg7: memref<128x128xf32, #tpu.memory_space<vmem>>, %arg8: memref<25x256x128xf32, #tpu.memory_space<vmem>>, %arg9: memref<25x256x128xf32, #tpu.memory_space<vmem>>) attributes {dimension_semantics = [#tpu.dimension_semantics<arbitrary>, #tpu.dimension_semantics<arbitrary>], iteration_bounds = array<i64: 2, 13>, scalar_prefetch = 0 : i64, scratch_operands = 0 : i64, tpu.core_type = #tpu.core_type<tc>, window_params = [{transform_indices = @transform_0, window_bounds = array<i64: 6400, 128>}, {transform_indices = @transform_1, window_bounds = array<i64: 1, 25, 1, 128>}, {transform_indices = @transform_2, window_bounds = array<i64: 1, 25, 1, 128>}, {pipeline_mode = #tpu.pipeline_mode<synchronous>, transform_indices = @transform_3, window_bounds = array<i64: 1, 128>}, {pipeline_mode = #tpu.pipeline_mode<synchronous>, transform_indices = @transform_4, window_bounds = array<i64: 1, 128>}, {pipeline_mode = #tpu.pipeline_mode<synchronous>, transform_indices = @transform_5, window_bounds = array<i64: 128, 128>}, {transform_indices = @transform_6, window_bounds = array<i64: 25, 256, 128>}, {transform_indices = @transform_7, window_bounds = array<i64: 25, 256, 128>}]} {
    %get3A = arith.constant 0 : index
    %get3A_0 = arith.constant 0 : index
    %get3A_1 = vector.load %arg2[%get3A, %get3A_0] : memref<6400x128xf32, #tpu.memory_space<vmem>>, vector<6400x128xf32>
    %get3A_2 = arith.constant 0 : index
    %get3A_3 = arith.constant 0 : index
    %get3A_4 = arith.constant 0 : index
    %get3A_5 = arith.constant 0 : index
    %get3A_6 = vector.load %arg3[%get3A_2, %get3A_3, %get3A_4, %get3A_5] : memref<1x25x1x128xf32, #tpu.memory_space<vmem>>, vector<1x25x1x128xf32>
    %get3A_7 = vector.shape_cast %get3A_6 : vector<1x25x1x128xf32> to vector<25x128xf32>
    %broadcast_in_dim3A = vector.shape_cast %get3A_7 : vector<25x128xf32> to vector<25x1x128xf32>
    %broadcast_in_dim3A_8 = vector.shape_cast %broadcast_in_dim3A : vector<25x1x128xf32> to vector<25x1x128xf32>
    %broadcast_in_dim3A_9 = vector.broadcast %broadcast_in_dim3A_8 : vector<25x1x128xf32> to vector<25x256x128xf32>
    %reshape3A = vector.shape_cast %broadcast_in_dim3A_9 : vector<25x256x128xf32> to vector<6400x128xf32>
    %get3A_10 = arith.constant 0 : index
    %get3A_11 = arith.constant 0 : index
    %get3A_12 = arith.constant 0 : index
    %get3A_13 = arith.constant 0 : index
    %get3A_14 = vector.load %arg4[%get3A_10, %get3A_11, %get3A_12, %get3A_13] : memref<1x25x1x128xf32, #tpu.memory_space<vmem>>, vector<1x25x1x128xf32>
    %get3A_15 = vector.shape_cast %get3A_14 : vector<1x25x1x128xf32> to vector<25x128xf32>
    %broadcast_in_dim3A_16 = vector.shape_cast %get3A_15 : vector<25x128xf32> to vector<25x1x128xf32>
    %broadcast_in_dim3A_17 = vector.shape_cast %broadcast_in_dim3A_16 : vector<25x1x128xf32> to vector<25x1x128xf32>
    %broadcast_in_dim3A_18 = vector.broadcast %broadcast_in_dim3A_17 : vector<25x1x128xf32> to vector<25x256x128xf32>
    %reshape3A_19 = vector.shape_cast %broadcast_in_dim3A_18 : vector<25x256x128xf32> to vector<6400x128xf32>
    %add3A = arith.addf %get3A_1, %reshape3A : vector<6400x128xf32>
    %get3A_20 = arith.constant 0 : index
    %get3A_21 = arith.constant 0 : index
    %get3A_22 = vector.load %arg7[%get3A_20, %get3A_21] : memref<128x128xf32, #tpu.memory_space<vmem>>, vector<128x128xf32>
    %dot_general3A = arith.constant dense<0.000000e+00> : vector<6400x128xf32>
    %dot_general3A_23 = tpu.matmul %add3A, %get3A_22, %dot_general3A {dimension_numbers = #tpu.dot_dimension_numbers<[1], [0], [0], [1], [0, 0, 1, 1], [], []>, transpose_lhs_hint = false} : vector<6400x128xf32>, vector<128x128xf32>, vector<6400x128xf32> -> vector<6400x128xf32>
    %mul3A = arith.mulf %add3A, %add3A : vector<6400x128xf32>
    %dot_general3A_24 = arith.constant dense<0.000000e+00> : vector<6400x128xf32>
    %dot_general3A_25 = tpu.matmul %mul3A, %get3A_22, %dot_general3A_24 {dimension_numbers = #tpu.dot_dimension_numbers<[1], [0], [0], [1], [0, 0, 1, 1], [], []>, transpose_lhs_hint = false} : vector<6400x128xf32>, vector<128x128xf32>, vector<6400x128xf32> -> vector<6400x128xf32>
    %mul3A_26 = arith.constant 3.125000e-02 : f32
    %mul3A_27 = vector.broadcast %mul3A_26 : f32 to vector<6400x128xf32>
    %mul3A_28 = arith.mulf %dot_general3A_23, %mul3A_27 : vector<6400x128xf32>
    %mul3A_29 = arith.constant 3.125000e-02 : f32
    %mul3A_30 = vector.broadcast %mul3A_29 : f32 to vector<6400x128xf32>
    %mul3A_31 = arith.mulf %dot_general3A_25, %mul3A_30 : vector<6400x128xf32>
    %mul3A_32 = arith.mulf %mul3A_28, %mul3A_28 : vector<6400x128xf32>
    %sub3A = arith.subf %mul3A_31, %mul3A_32 : vector<6400x128xf32>
    %add3A_33 = arith.constant 9.99999974E-6 : f32
    %add3A_34 = vector.broadcast %add3A_33 : f32 to vector<6400x128xf32>
    %add3A_35 = arith.addf %sub3A, %add3A_34 : vector<6400x128xf32>
    %rsqrt3A = math.rsqrt %add3A_35 : vector<6400x128xf32>
    %sub3A_36 = arith.subf %add3A, %mul3A_28 : vector<6400x128xf32>
    %mul3A_37 = arith.mulf %rsqrt3A, %reshape3A_19 : vector<6400x128xf32>
    %get3A_38 = arith.constant 0 : index
    %get3A_39 = arith.constant 0 : index
    %get3A_40 = vector.load %arg5[%get3A_38, %get3A_39] : memref<1x128xf32, #tpu.memory_space<vmem>>, vector<1x128xf32>
    %mul3A_41 = vector.broadcast %get3A_40 : vector<1x128xf32> to vector<6400x128xf32>
    %mul3A_42 = arith.mulf %mul3A_37, %mul3A_41 : vector<6400x128xf32>
    %mul3A_43 = arith.mulf %sub3A_36, %mul3A_42 : vector<6400x128xf32>
    %get3A_44 = arith.constant 0 : index
    %get3A_45 = arith.constant 0 : index
    %get3A_46 = vector.load %arg6[%get3A_44, %get3A_45] : memref<1x128xf32, #tpu.memory_space<vmem>>, vector<1x128xf32>
    %mul3A_47 = vector.broadcast %get3A_46 : vector<1x128xf32> to vector<6400x128xf32>
    %mul3A_48 = arith.mulf %reshape3A_19, %mul3A_47 : vector<6400x128xf32>
    %add3A_49 = arith.addf %mul3A_43, %mul3A_48 : vector<6400x128xf32>
    %reshape3A_50 = vector.shape_cast %add3A_49 : vector<6400x128xf32> to vector<25x256x128xf32>
    %eq3A = arith.constant 0 : i32
    %eq3A_51 = arith.cmpi eq, %arg1, %eq3A : i32
    %convert_element_type3A = arith.extui %eq3A_51 : i1 to i32
    %cond3A = arith.constant 0 : i32
    %cond3A_52 = arith.cmpi ne, %convert_element_type3A, %cond3A : i32
    scf.if %cond3A_52 {
      %get3A_57 = arith.constant 0 : index
      %get3A_58 = arith.constant 0 : index
      %get3A_59 = arith.constant 0 : index
      %get3A_60 = vector.load %arg8[%get3A_57, %get3A_58, %get3A_59] : memref<25x256x128xf32, #tpu.memory_space<vmem>>, vector<25x256x128xf32>
      %add3A_61 = arith.addf %get3A_60, %reshape3A_50 : vector<25x256x128xf32>
      %swap3A = arith.constant 0 : index
      %swap3A_62 = arith.constant 0 : index
      %swap3A_63 = arith.constant 0 : index
      %swap3A_64 = vector.load %arg9[%swap3A, %swap3A_62, %swap3A_63] : memref<25x256x128xf32, #tpu.memory_space<vmem>>, vector<25x256x128xf32>
      tpu.vector_store %arg9[%swap3A, %swap3A_62, %swap3A_63], %add3A_61 {strides = array<i32>} : memref<25x256x128xf32, #tpu.memory_space<vmem>>, vector<25x256x128xf32>,
    } else {
    }
    %gt3A = arith.constant 0 : i32
    %gt3A_53 = arith.cmpi sgt, %arg1, %gt3A : i32
    %convert_element_type3A_54 = arith.extui %gt3A_53 : i1 to i32
    %cond3A_55 = arith.constant 0 : i32
    %cond3A_56 = arith.cmpi ne, %convert_element_type3A_54, %cond3A_55 : i32
    scf.if %cond3A_56 {
      %get3A_57 = arith.constant 0 : index
      %get3A_58 = arith.constant 0 : index
      %get3A_59 = arith.constant 0 : index
      %get3A_60 = vector.load %arg9[%get3A_57, %get3A_58, %get3A_59] : memref<25x256x128xf32, #tpu.memory_space<vmem>>, vector<25x256x128xf32>
      %add3A_61 = arith.addf %get3A_60, %reshape3A_50 : vector<25x256x128xf32>
      %swap3A = arith.constant 0 : index
      %swap3A_62 = arith.constant 0 : index
      %swap3A_63 = arith.constant 0 : index
      %swap3A_64 = vector.load %arg9[%swap3A, %swap3A_62, %swap3A_63] : memref<25x256x128xf32, #tpu.memory_space<vmem>>, vector<25x256x128xf32>
      tpu.vector_store %arg9[%swap3A, %swap3A_62, %swap3A_63], %add3A_61 {strides = array<i32>} : memref<25x256x128xf32, #tpu.memory_space<vmem>>, vector<25x256x128xf32>,
    } else {
    }
    return
  }
  func.func @transform_0(%arg0: i32, %arg1: i32) -> (i32, i32) {
    %mul3A = arith.constant 2 : i32
    %mul3A_0 = arith.muli %arg1, %mul3A : i32
    %add3A = arith.addi %mul3A_0, %arg0 : i32
    %c0_i32 = arith.constant 0 : i32
    %c0_i32_1 = arith.constant 0 : i32
    return %add3A, %c0_i32 : i32, i32
  }
  func.func @transform_1(%arg0: i32, %arg1: i32) -> (i32, i32, i32, i32) {
    %c0_i32 = arith.constant 0 : i32
    %c0_i32_0 = arith.constant 0 : i32
    %c0_i32_1 = arith.constant 0 : i32
    return %arg1, %arg0, %c0_i32, %c0_i32_0 : i32, i32, i32, i32
  }
  func.func @transform_2(%arg0: i32, %arg1: i32) -> (i32, i32, i32, i32) {
    %c0_i32 = arith.constant 0 : i32
    %c0_i32_0 = arith.constant 0 : i32
    %c0_i32_1 = arith.constant 0 : i32
    return %arg1, %arg0, %c0_i32, %c0_i32_0 : i32, i32, i32, i32
  }
  func.func @transform_3(%arg0: i32, %arg1: i32) -> (i32, i32) {
    %c0_i32 = arith.constant 0 : i32
    %c0_i32_0 = arith.constant 0 : i32
    %c0_i32_1 = arith.constant 0 : i32
    return %c0_i32, %c0_i32_0 : i32, i32
  }
  func.func @transform_4(%arg0: i32, %arg1: i32) -> (i32, i32) {
    %c0_i32 = arith.constant 0 : i32
    %c0_i32_0 = arith.constant 0 : i32
    %c0_i32_1 = arith.constant 0 : i32
    return %c0_i32, %c0_i32_0 : i32, i32
  }
  func.func @transform_5(%arg0: i32, %arg1: i32) -> (i32, i32) {
    %c0_i32 = arith.constant 0 : i32
    %c0_i32_0 = arith.constant 0 : i32
    %c0_i32_1 = arith.constant 0 : i32
    return %c0_i32, %c0_i32_0 : i32, i32
  }
  func.func @transform_6(%arg0: i32, %arg1: i32) -> (i32, i32, i32) {
    %c0_i32 = arith.constant 0 : i32
    %c0_i32_0 = arith.constant 0 : i32
    %c0_i32_1 = arith.constant 0 : i32
    return %arg0, %c0_i32, %c0_i32_0 : i32, i32, i32
  }
  func.func @transform_7(%arg0: i32, %arg1: i32) -> (i32, i32, i32) {
    %c0_i32 = arith.constant 0 : i32
    %c0_i32_0 = arith.constant 0 : i32
    %c0_i32_1 = arith.constant 0 : i32
    return %arg0, %c0_i32, %c0_i32_0 : i32, i32, i32
  }
}

</mosaic_0001>

<sc_bundles>
// kernel: kernel.6.cloned.1.call-start
scs
__scs_entry_jumppad:
0x0: {  	(pc) =	sbr.rel $0x88, $3  }
0x1: {  	(tag) =	ssettag $0x0;
	lr =	simm.s32 $0x1  }
0x2: {  	[smem:$0x3F9A] =	sst lr;
	_ =	strace $0xD0000000  }
0x3: {  	_ = 	snop  }
0x4: {  	_ = 	snop  }
0x5: {  	_ = 	snop  }
0x6: {  	_ = 	snop  }
0x7: {  	_ = 	snop  }
__scs_overlays_trampoline_lowered:
0x8: {  	[smem:$0x3FA9] =	sst s0  }
0x9: {  	[smem:$0x3FAA] =	sst s1  }
0xa: {  	[smem:$0x3FAB] =	sst s2  }
0xb: {  	[smem:$0x3FAC] =	sst s3  }
0xc: {  	[smem:$0x3FAD] =	sst s4  }
0xd: {  	[smem:$0x3FAE] =	sst s5  }
0xe: {  	[smem:$0x3FAF] =	sst s6  }
0xf: {  	[smem:$0x3FB0] =	sst s7  }
0x10: {  	[smem:$0x3FB1] =	sst s8  }
0x11: {  	[smem:$0x3FB2] =	sst s9;
	s0 =	simm.s32 @!p0 $0x0  }
0x12: {  	s1 =	sld [smem:$0x3F98];
	s0 =	simm.s32 @p0 $0x1  }
0x13: {  	[smem:$0x3FB3] =	sst s0;
	s0 =	simm.s32 @!p1 $0x0  }
0x14: {  	s2 =	sld [smem:$0x3F97];
	s0 =	simm.s32 @p1 $0x1  }
0x15: {  	[smem:$0x3FB4] =	sst s0;
	s0 =	simm.s32 @!p2 $0x0  }
0x16: {  	s3 =	sld [smem:$0x3FDB];
	s0 =	simm.s32 @p2 $0x1  }
0x17: {  	s4 =	simm.s32 $0x1BF5;
	[smem:$0x3FB6] =	sst s0  }
0x18: {  	s0 =	sld [smem:$0x3F99];
	_ =	swait.ge [sflag:s4], $0x0  }
0x19: {  	s7 =	sld [smem:$0x3F9A]  }
0x1a: {  	s8 =	sadd.s32 $0xFFFFE003, lr  }
0x1b: {  	s9 =	sadd.s32 $0xFFFFFEF7, lr;
	s5 =	simm.s32 $0xFFFFFFFF;
	p2 =	slt.u32 s8, $0xFFFFF086  }
0x1c: {  	p1 =	slt.u32 s9, $0xF7A;
	s5 =	simm.s32 @!p2 $0x0  }
0x1d: {  	s5 =	simm.s32 @p1 $0x1;
	p0 =	seq.s32 s7, s2  }
0x1e: {  	s7 =	smul.u32 @!p0 $0xF7A, s2;
	p2 =	seq.s32 @!p0 s5, $0x0  }
0x1f: {  	s9 =	smul.u32 $0xF7A, s1;
	s8 =	simm.s32 @!p0 $0x1BF5;
	p2 =	por !p2, p0  }
0x20: {  	[sflag:s8] =	ssyncset.s32 @!p0 $0xFFFFF086;
	s6 =	sadd.s32 @!p0 s3, s7;
	s7 =	simm.s32 @!p0 $0x108  }
0x21: {  	s3 =	sadd.s32 s3, s9;
	s6 =	sadd.s32 @!p0 $0x88, s6;
	s7 =	simm.s32 @p2 $0x1082  }
0x22: {  	[simem:s7], [sflag:s8] =	dma.local @!p0 [hbm:s6], $0xF7A  }
0x23: {  	s9 =	sor.u32 $0xD0000000, s2;
	s6 =	simm.s32 $0x108;
	_ =	swait.ge @!p0 [sflag:s8], $0x0  }
0x24: {  	s3 =	sadd.s32 $0x88, s3;
	s6 =	simm.s32 @!p1 $0x1082;
	[sflag:s4] =	ssyncset.s32 $0xFFFFF086  }
0x25: {  	[simem:s6], [sflag:s4] =	dma.local [hbm:s3], $0xF7A  }
0x26: {  	[smem:$0x3F9A] =	sst s1;
	(tag) =	ssettag s2;
	_ =	strace s9  }
0x27: {  	s1 =	sld [smem:$0x3FAA]  }
0x28: {  	s2 =	sld [smem:$0x3FAB]  }
0x29: {  	s4 =	sld [smem:$0x3FAD]  }
0x2a: {  	p0 =	seq.s32 s5, $0x0;
	s5 =	sld [smem:$0x3FAE]  }
0x2b: {  	s6 =	sld [smem:$0x3FAF]  }
0x2c: {  	s7 =	sld [smem:$0x3FB0]  }
0x2d: {  	s3 =	simm.s32 $0x108;
	s8 =	sld [smem:$0x3FB1]  }
0x2e: {  	s3 =	simm.s32 @!p0 $0x1082;
	s9 =	sld [smem:$0x3FB2]  }
0x2f: {  	lr =	sadd.s32 s0, s3;
	s0 =	sld [smem:$0x3FA9]  }
0x30: {  	s3 =	sld [smem:$0x3FAC]  }
0x31: {  	[smem:$0x3FB5] =	sst s10  }
0x32: {  	s10 =	sld [smem:$0x3FB3];
	_ =	sdelay $0x3  }
0x33: {  	p0 =	seq.s32 s10, $0x1;
	s10 =	sld [smem:$0x3FB5];
	_ =	sdelay $0x3  }
0x34: {  	[smem:$0x3FB5] =	sst s10  }
0x35: {  	s10 =	sld [smem:$0x3FB4];
	_ =	sdelay $0x3  }
0x36: {  	p1 =	seq.s32 s10, $0x1;
	s10 =	sld [smem:$0x3FB5];
	_ =	sdelay $0x3  }
0x37: {  	[smem:$0x3FB5] =	sst s10  }
0x38: {  	s10 =	sld [smem:$0x3FB6]  }
0x39: {  	_ = 	snop;
	(pc) =	sbr.ind lr, $3  }
0x3a: {  	_ = 	snop  }
0x3b: {  	_ = 	snop  }
0x3c: {  	p2 =	seq.s32 s10, $0x1;
	s10 =	sld [smem:$0x3FB5]  }
0x3d: {  	_ =	shalt  }
0x3e: {  	_ =	shalt  }
0x3f: {  	_ =	shalt  }
0x40: {  	_ =	shalt  }
0x41: {  	_ =	shalt  }
0x42: {  	_ =	shalt  }
0x43: {  	_ =	shalt  }
0x44: {  	_ =	shalt  }
0x45: {  	_ =	shalt  }
0x46: {  	_ =	shalt  }
0x47: {  	_ =	shalt  }
0x48: {  	_ =	shalt  }
0x49: {  	_ =	shalt  }
0x4a: {  	_ =	shalt  }
0x4b: {  	_ =	shalt  }
0x4c: {  	_ =	shalt  }
0x4d: {  	_ =	shalt  }
0x4e: {  	_ =	shalt  }
0x4f: {  	_ =	shalt  }
0x50: {  	_ =	shalt  }
0x51: {  	_ =	shalt  }
0x52: {  	_ =	shalt  }
0x53: {  	_ =	shalt  }
0x54: {  	_ =	shalt  }
0x55: {  	_ =	shalt  }
0x56: {  	_ =	shalt  }
0x57: {  	_ =	shalt  }
0x58: {  	_ =	shalt  }
0x59: {  	_ =	shalt  }
0x5a: {  	_ =	shalt  }
0x5b: {  	_ =	shalt  }
0x5c: {  	_ =	shalt  }
0x5d: {  	_ =	shalt  }
0x5e: {  	_ =	shalt  }
0x5f: {  	_ =	shalt  }
0x60: {  	_ =	shalt  }
0x61: {  	_ =	shalt  }
0x62: {  	_ =	shalt  }
0x63: {  	_ =	shalt  }
0x64: {  	_ =	shalt  }
0x65: {  	_ =	shalt  }
0x66: {  	_ =	shalt  }
0x67: {  	_ =	shalt  }
0x68: {  	_ =	shalt  }
0x69: {  	_ =	shalt  }
0x6a: {  	_ =	shalt  }
0x6b: {  	_ =	shalt  }
0x6c: {  	_ =	shalt  }
0x6d: {  	_ =	shalt  }
0x6e: {  	_ =	shalt  }
0x6f: {  	_ =	shalt  }
0x70: {  	_ =	shalt  }
0x71: {  	_ =	shalt  }
0x72: {  	_ =	shalt  }
0x73: {  	_ =	shalt  }
0x74: {  	_ =	shalt  }
0x75: {  	_ =	shalt  }
0x76: {  	_ =	shalt  }
0x77: {  	_ =	shalt  }
0x78: {  	_ =	shalt  }
0x79: {  	_ =	shalt  }
0x7a: {  	_ =	shalt  }
0x7b: {  	_ =	shalt  }
0x7c: {  	_ =	shalt  }
0x7d: {  	_ =	shalt  }
0x7e: {  	_ =	shalt  }
0x7f: {  	_ =	shalt  }
0x80: {  	_ =	shalt  }
0x81: {  	_ =	shalt  }
0x82: {  	_ =	shalt  }
0x83: {  	_ =	shalt  }
0x84: {  	_ =	shalt  }
0x85: {  	_ =	shalt  }
0x86: {  	_ =	shalt  }
0x87: {  	_ =	shalt  }
.Lfunc_end0:
.L_simem_size_0:
called_computation_lowered:
.L_overlay_start_0:
0x88: {  	s2 =	sld [smem:$0x3FD9]  }
0x89: {  	s3 =	sld [smem:$0x3FFE];
	_ =	sdelay $0x1  }
0x8a: {  	s1 =	srdreg.scid  }
0x8b: {  	s0 =	sand.u32 $0x1, s1  }
0x8c: {  	s17 =	sshll.u32 s0, $0xA;
	s2 =	sadd.s32 s3, s2  }
0x8d: {  	s2 =	sadd.s32 s2, s17  }
0x8e: {  	[smem:$0x3FC1] =	sst s2  }
0x8f: {  	_ = 	snop  }
0x90: {  	s2 =	sld [smem:$0x3FD0];
	(tm) =	ssettm $0x1  }
0x91: {  	s18 =	sld [smem:$0x3FFB];
	_ =	sdelay $0x3  }
0x92: {  	_ =	strace s18  }
0x93: {  	s3 =	sld [smem:$0x3FFC];
	_ =	sdelay $0x3  }
0x94: {  	_ =	strace s3  }
0x95: {  	s3 =	sld [smem:$0x3FFD];
	_ =	sdelay $0x3  }
0x96: {  	_ =	strace s3  }
0x97: {  	_ =	strace $0x8FFFFFFF  }
0x98: {  	s19 =	sld [smem:$0x3FDB];
	_ =	sdelay $0x1  }
0x99: {  	s4 =	simm.s32 $_scs_section_size  }
0x9a: {  	s5 =	simm.s32 $_size__tile_overlayer_lowered;
	s6 =	simm.s32 $_tile_overlayer_lowered  }
0x9b: {  	s22 =	simm.s32 $0x1BFF;
	s21 =	sshll.u32 s6, $0x1;
	s3 =	sadd.s32 s4, s19  }
0x9c: {  	s7 =	simm.s32 $0x0;
	s20 =	sshll.u32 s5, $0x1;
	s5 =	sadd.s32 s21, s3  }
0x9d: {  	[timem:s7], [sflag:s22] =	dma.local [hbm:s5], s20  }
0x9e: {  	_ =	swait.ge [sflag:s22], s20  }
0x9f: {  	s4 =	ssub.s32 $0x0, s20;
	[sflag:s22] =	ssyncset.done $0x0  }
0xa0: {  	[sflag:s22] =	ssyncadd.s32 s4;
	_ =	sdelay $0x1  }
0xa1: {  	s23 =	simm.s32 $0x1B8B  }
0xa2: {  	_ =	swait.ge [sflag:s23], $0x1  }
0xa3: {  	[sflag:s23] =	ssyncset.done $0x0  }
0xa4: {  	s25 =	simm.s32 $0x1B8E;
	s24 =	sld [smem:$0x3FFE];
	[sflag:s23] =	ssyncadd.s32 $0xFFFFFFFF  }
0xa5: {  	s26 =	simm.s32 $execute0_lowered;
	[smem:$0x3FD2] =	sst s25  }
0xa6: {  	s5 =	sshll.u32 s26, $0x1;
	_ =	strace $0x80000046;
	[dreg:$0x1] =	wrdreg $0xFFFFFFFF  }
0xa7: {  	s28 =	simm.s32 $_size_execute0_lowered;
	s3 =	sadd.s32 s3, s5;
	[dreg:$0x0] =	wrdreg $0x0  }
0xa8: {  	s5 =	sshll.u32 s28, $0x1;
	[dreg:$0x2] =	wrdreg s3  }
0xa9: {  	[dreg:$0x3] =	wrdreg s5  }
0xaa: {  	[dreg:$0x4] =	wrdreg $0xC0  }
0xab: {  	_ =	task [dreg:s7], $0x5FFFF  }
0xac: {  	[dreg:$0x1] =	wrdreg $0xFFFFFFFF  }
0xad: {  	[dreg:$0x0] =	wrdreg $0x60  }
0xae: {  	[dreg:$0x2] =	wrdreg s2  }
0xaf: {  	[dreg:$0x3] =	wrdreg s24  }
0xb0: {  	[dreg:$0x4] =	wrdreg $0x9  }
0xb1: {  	_ =	task.clear_ibuf [dreg:s7], $0x5FFFF;
	_ =	strace $0x90000046  }
0xb2: {  	s29 =	simm.s32 $0x9;
	_ =	strace $0x80000048  }
0xb3: {  	_ =	swait.ge [sflag:s29], $0x1  }
0xb4: {  	[sflag:s29] =	ssyncadd.s32 $0xFFFFFFFF  }
0xb5: {  	_ =	strace $0x90000048  }
0xb6: {  	_ =	sfence  }
0xb7: {  	s30 =	sld [smem:$0x0];
	_ =	sdelay $0x2  }
0xb8: {  	s31 =	sshll.u32 s1, $0xD;
	s1 =	sshrl.u32 s1, $0x2  }
0xb9: {  	s3 =	sand.u32 $0x4000, s31;
	s1 =	sadd.s32 s1, s30  }
0xba: {  	s0 =	sor.u32 s3, s0;
	s1 =	sshll.u32 s1, $0x11  }
0xbb: {  	s0 =	sor.u32 s1, s0  }
0xbc: {  	s0 =	sadd.s32 $0x8F2B, s0  }
0xbd: {  	[sflag:s0] =	ssyncadd.remote.s32 $0x1  }
0xbe: {  	_ =	sfence.sel $0xFFFF  }
0xbf: {  	[dreg:$0x0] =	wrdreg $0xFFFFFFFF;
	(pc) =	sbr.abs _section_cstart, $3  }
0xc0: {  	[dreg:$0x1] =	wrdreg $0xFFFFFFFF  }
0xc1: {  	_ =	task.clear_ibuf [dreg:s7], $0x2FFFF;
	_ =	strace $0x9FFFFFFF  }
0xc2: {  	(tm) =	ssettm $0x7FFFFFFF  }
0xc3: {  	_ =	shalt  }
tec
execute0_lowered:
.L_overlay_start_1:
0x0: {  	(tag) =	ssettag $0x1  }
0x1: {  	s1 =	srdreg.scid;
	s0 =	stileid.u32  }
0x2: {  	s4 =	sand.u32 $0x1, s1;
	s31 =	sshll.u32 s0, $0x1  }
0x3: {  	s1 =	sor.u32 s4, s31  }
0x4: {  	s1 =	smul.u32 $0x28A, s1;
	_ =	sdelay $0x1  }
0x5: {  	s2 =	sadd.s32 $0x28A, s1  }
0x6: {  	s5 =	sshrl.u32 s1, $0x5;
	s3 =	sshrl.u32 s2, $0x5  }
0x7: {  	s3 =	ssub.s32 s3, s5  }
0x8: {  	p0 =	slt.s32 s3, $0x1  }
.Ltmp0:
0x9: {  	_ = 	snop;
	(pc) =	sbr.rel @p0 .LBB2_5-.Ltmp0, $4  }
0xa: {  	s7 =	rddreg [dreg:$0x0]  }
0xb: {  	s6 =	rddreg [dreg:$0x1];
	s2 =	simm.s32 $0x0  }
0xc: {  	[smem:$0x7FF] =	sst s2  }
0xd: {  	s1 =	rddreg [dreg:$0x2];
	_ =	strace $0x80000047  }
0xe: {  	s8 =	ssub.s32 $0x2, s4  }
0xf: {  	s4 =	sadd.s32 $0xF43600, s6;
	s30 =	sadd.s32 $0x1200, s6;
	s31 =	sshll.u32 s5, $0xC  }
0x10: {  	s10 =	sshll.u32 s5, $0x7;
	s11 =	simm.s32 $0x1400;
	s12 =	simm.s32 $0x100  }
0x11: {  	s13 =	simm.s32 $0x2400;
	s14 =	simm.s32 $0x180;
	s15 =	simm.s32 $0x3400  }
0x12: {  	s16 =	simm.s32 $0x200;
	s17 =	simm.s32 $0x4400;
	s18 =	simm.s32 $0x280  }
0x13: {  	s19 =	simm.s32 $0x5400;
	s20 =	simm.s32 $0x300;
	s21 =	simm.s32 $0x6400  }
0x14: {  	s22 =	simm.s32 $0x380;
	s23 =	simm.s32 $0x7400;
	s24 =	simm.s32 $0x1  }
0x15: {  	s25 =	simm.s32 $0x0;
	s9 =	sshrl.u32 s8, $0x1;
	s6 =	sadd.s32 s31, s30  }
0x16: {  	s7 =	sadd.s32 s10, s7;
	s10 =	simm.s32 $0x400;
	s8 =	ssub.s32 s8, s9  }
0x17: {  	s9 =	simm.s32 $0x80;
	s5 =	smax.u32 s8, $0x1;
	s8 =	simm.s32 $0x2  }
.LBB2_2:
0x18: {  	[tilespmem:s2], [sflag:$0x2] =	stream.linear.gather [hbm4b:s7+s2], $0x400, $0x38;
	[tilespmem:$0x8400] =	vst v63  }
0x19: {  	_ =	swait.ge [sflag:s8], $0x400  }
0x1a: {  	[sflag:s8] =	ssyncset.done $0x0  }
0x1b: {  	[sflag:s8] =	ssyncadd.s32 $0xFFFFFC00  }
0x1c: {  	[tilespmem:s10], [sflag:$0x1] =	stream.indirect.gather [hbm4b:s4+s9], $0x20, s2, s9, $0xb8;
	[tilespmem:$0x8400] =	vst v63  }
0x1d: {  	_ = 	snop  }
0x1e: {  	[tilespmem:s11], [sflag:$0x1] =	stream.indirect.gather [hbm4b:s4+s9], $0x20, s9, s9, $0xb8;
	[tilespmem:$0x8400] =	vst v63  }
0x1f: {  	_ = 	snop  }
0x20: {  	[tilespmem:s13], [sflag:$0x1] =	stream.indirect.gather [hbm4b:s4+s9], $0x20, s12, s9, $0xb8;
	[tilespmem:$0x8400] =	vst v63  }
0x21: {  	_ = 	snop  }
0x22: {  	[tilespmem:s15], [sflag:$0x1] =	stream.indirect.gather [hbm4b:s4+s9], $0x20, s14, s9, $0xb8;
	[tilespmem:$0x8400] =	vst v63  }
0x23: {  	_ = 	snop  }
0x24: {  	[tilespmem:s17], [sflag:$0x1] =	stream.indirect.gather [hbm4b:s4+s9], $0x20, s16, s9, $0xb8;
	[tilespmem:$0x8400] =	vst v63  }
0x25: {  	_ = 	snop  }
0x26: {  	[tilespmem:s19], [sflag:$0x1] =	stream.indirect.gather [hbm4b:s4+s9], $0x20, s18, s9, $0xb8;
	[tilespmem:$0x8400] =	vst v63  }
0x27: {  	_ = 	snop  }
0x28: {  	[tilespmem:s21], [sflag:$0x1] =	stream.indirect.gather [hbm4b:s4+s9], $0x20, s20, s9, $0xb8;
	[tilespmem:$0x8400] =	vst v63  }
0x29: {  	_ = 	snop  }
0x2a: {  	[tilespmem:s23], [sflag:$0x1] =	stream.indirect.gather [hbm4b:s4+s9], $0x20, s22, s9, $0xb8;
	[tilespmem:$0x8400] =	vst v63  }
0x2b: {  	_ =	swait.ge [sflag:s24], $0x1000  }
0x2c: {  	[sflag:s24] =	ssyncset.done $0x0  }
0x2d: {  	[sflag:s24] =	ssyncadd.s32 $0xFFFFF000  }
0x2e: {  	_ =	swait.ge [sflag:s24], $0x1000  }
0x2f: {  	[sflag:s24] =	ssyncset.done $0x0  }
0x30: {  	[sflag:s24] =	ssyncadd.s32 $0xFFFFF000  }
0x31: {  	_ =	swait.ge [sflag:s24], $0x1000  }
0x32: {  	[sflag:s24] =	ssyncset.done $0x0  }
0x33: {  	[sflag:s24] =	ssyncadd.s32 $0xFFFFF000  }
0x34: {  	_ =	swait.ge [sflag:s24], $0x1000  }
0x35: {  	[sflag:s24] =	ssyncset.done $0x0  }
0x36: {  	[sflag:s24] =	ssyncadd.s32 $0xFFFFF000  }
0x37: {  	_ =	swait.ge [sflag:s24], $0x1000  }
0x38: {  	[sflag:s24] =	ssyncset.done $0x0  }
0x39: {  	[sflag:s24] =	ssyncadd.s32 $0xFFFFF000  }
0x3a: {  	_ =	swait.ge [sflag:s24], $0x1000  }
0x3b: {  	[sflag:s24] =	ssyncset.done $0x0  }
0x3c: {  	[sflag:s24] =	ssyncadd.s32 $0xFFFFF000  }
0x3d: {  	_ =	swait.ge [sflag:s24], $0x1000  }
0x3e: {  	[sflag:s24] =	ssyncset.done $0x0  }
0x3f: {  	[sflag:s24] =	ssyncadd.s32 $0xFFFFF000  }
0x40: {  	p0 =	sne.s32 s3, $0x1;
	_ =	swait.ge [sflag:s24], $0x1000  }
.Ltmp1:
0x41: {  	[sflag:s24] =	ssyncset.done $0x0;
	(pc) =	sbr.rel @!p0 .LBB2_4-.Ltmp1, $4  }
0x42: {  	[sflag:s24] =	ssyncadd.s32 $0xFFFFF000  }
0x43: {  	[hbm4b:s6+s2] =	stream.linear.scatter [tilespmem:s10], [sflag:$0x2], $0x8000, $0x38;
	[tilespmem:$0x8400] =	vst v63  }
0x44: {  	s26 =	sadd.s32 $0xFFFFFFFF, s3;
	_ =	swait.ge [sflag:s8], $0x8000  }
0x45: {  	s28 =	smov.u32 s6;
	s29 =	smov.u32 s7;
	[sflag:s8] =	ssyncset.done $0x0  }
.LBB2_3:
0x46: {  	[sflag:s8] =	ssyncadd.s32 $0xFFFF8000;
	s28 =	sadd.s32 $0x1000, s28;
	s29 =	sadd.s32 $0x80, s29  }
0x47: {  	[tilespmem:s2], [sflag:$0x2] =	stream.linear.gather [hbm4b:s29+s2], $0x400, $0x38;
	[tilespmem:$0x8400] =	vst v63  }
0x48: {  	p0 =	sne.s32 s26, $0x1;
	s26 =	sadd.s32 $0xFFFFFFFF, s26;
	_ =	swait.ge [sflag:s8], $0x400  }
0x49: {  	[sflag:s8] =	ssyncset.done $0x0  }
0x4a: {  	[sflag:s8] =	ssyncadd.s32 $0xFFFFFC00  }
0x4b: {  	[tilespmem:s10], [sflag:$0x1] =	stream.indirect.gather [hbm4b:s4+s9], $0x20, s2, s9, $0xb8;
	[tilespmem:$0x8400] =	vst v63  }
0x4c: {  	_ = 	snop  }
0x4d: {  	[tilespmem:s11], [sflag:$0x1] =	stream.indirect.gather [hbm4b:s4+s9], $0x20, s9, s9, $0xb8;
	[tilespmem:$0x8400] =	vst v63  }
0x4e: {  	_ = 	snop  }
0x4f: {  	[tilespmem:s13], [sflag:$0x1] =	stream.indirect.gather [hbm4b:s4+s9], $0x20, s12, s9, $0xb8;
	[tilespmem:$0x8400] =	vst v63  }
0x50: {  	_ = 	snop  }
0x51: {  	[tilespmem:s15], [sflag:$0x1] =	stream.indirect.gather [hbm4b:s4+s9], $0x20, s14, s9, $0xb8;
	[tilespmem:$0x8400] =	vst v63  }
0x52: {  	_ = 	snop  }
0x53: {  	[tilespmem:s17], [sflag:$0x1] =	stream.indirect.gather [hbm4b:s4+s9], $0x20, s16, s9, $0xb8;
	[tilespmem:$0x8400] =	vst v63  }
0x54: {  	_ = 	snop  }
0x55: {  	[tilespmem:s19], [sflag:$0x1] =	stream.indirect.gather [hbm4b:s4+s9], $0x20, s18, s9, $0xb8;
	[tilespmem:$0x8400] =	vst v63  }
0x56: {  	_ = 	snop  }
0x57: {  	[tilespmem:s21], [sflag:$0x1] =	stream.indirect.gather [hbm4b:s4+s9], $0x20, s20, s9, $0xb8;
	[tilespmem:$0x8400] =	vst v63  }
0x58: {  	_ = 	snop  }
0x59: {  	[tilespmem:s23], [sflag:$0x1] =	stream.indirect.gather [hbm4b:s4+s9], $0x20, s22, s9, $0xb8;
	[tilespmem:$0x8400] =	vst v63  }
0x5a: {  	_ =	swait.ge [sflag:s24], $0x1000  }
0x5b: {  	[sflag:s24] =	ssyncset.done $0x0  }
0x5c: {  	[sflag:s24] =	ssyncadd.s32 $0xFFFFF000  }
0x5d: {  	_ =	swait.ge [sflag:s24], $0x1000  }
0x5e: {  	[sflag:s24] =	ssyncset.done $0x0  }
0x5f: {  	[sflag:s24] =	ssyncadd.s32 $0xFFFFF000  }
0x60: {  	_ =	swait.ge [sflag:s24], $0x1000  }
0x61: {  	[sflag:s24] =	ssyncset.done $0x0  }
0x62: {  	[sflag:s24] =	ssyncadd.s32 $0xFFFFF000  }
0x63: {  	_ =	swait.ge [sflag:s24], $0x1000  }
0x64: {  	[sflag:s24] =	ssyncset.done $0x0  }
0x65: {  	[sflag:s24] =	ssyncadd.s32 $0xFFFFF000  }
0x66: {  	_ =	swait.ge [sflag:s24], $0x1000  }
0x67: {  	[sflag:s24] =	ssyncset.done $0x0  }
0x68: {  	[sflag:s24] =	ssyncadd.s32 $0xFFFFF000  }
0x69: {  	_ =	swait.ge [sflag:s24], $0x1000  }
0x6a: {  	[sflag:s24] =	ssyncset.done $0x0  }
0x6b: {  	[sflag:s24] =	ssyncadd.s32 $0xFFFFF000  }
0x6c: {  	_ =	swait.ge [sflag:s24], $0x1000  }
0x6d: {  	[sflag:s24] =	ssyncset.done $0x0  }
0x6e: {  	[sflag:s24] =	ssyncadd.s32 $0xFFFFF000  }
0x6f: {  	_ =	swait.ge [sflag:s24], $0x1000  }
.Ltmp2:
0x70: {  	[sflag:s24] =	ssyncset.done $0x0;
	(pc) =	sbr.rel @p0 .LBB2_3-.Ltmp2, $4  }
0x71: {  	[sflag:s24] =	ssyncadd.s32 $0xFFFFF000  }
0x72: {  	[hbm4b:s28+s2] =	stream.linear.scatter [tilespmem:s10], [sflag:$0x2], $0x8000, $0x38;
	[tilespmem:$0x8400] =	vst v63  }
0x73: {  	_ =	swait.ge [sflag:s8], $0x8000  }
0x74: {  	[sflag:s8] =	ssyncset.done $0x0  }
.LBB2_4:
0x75: {  	s25 =	sadd.s32 $0x1, s25  }
0x76: {  	p0 =	sne.s32 s25, s5  }
.Ltmp3:
0x77: {  	_ = 	snop;
	(pc) =	sbr.rel @p0 .LBB2_2-.Ltmp3, $2  }
0x78: {  	_ =	sdelay $0x2  }
0x79: {  	[sflag:s8] =	ssyncadd.s32 $0xFFFF8000  }
.LBB2_5:
0x7a: {  	_ =	sfence.sel $0x180000  }
0x7b: {  	[bflag:$0x0] =	sbarrier.arrive $0xFFFF  }
0x7c: {  	p0 =	sne.s32 s0, $0x0;
	_ =	strace $0x90000047  }
0x7d: {  	s0 =	sadd.s32 @!p0 $0x100000, s1;
	[bflag:$0x2] =	sbarrier.arrive $0xFFFF  }
0x7e: {  	[sflag:s0] =	ssyncadd.tile.s32 @!p0 $0x1;
	_ =	shalt  }
.Lfunc_end2:
_tile_overlayer_lowered:
.L_overlay_start_2:
0x7f: {  	(tag) =	ssettag $0x2  }
0x80: {  	s0 =	rddreg [dreg:$0x0];
	s2 =	stileid.u32  }
0x81: {  	s1 =	rddreg [dreg:$0x1];
	p0 =	sne.s32 s2, $0x0  }
0x82: {  	s3 =	rddreg [dreg:$0x2];
	[bflag:$0x3] =	sbarrier.arrive $0xFFFF;
	s2 =	simm.s32 @!p0 $0x1C02  }
0x83: {  	[timem:s3], [sflag:s2] =	dma.local @!p0 [hbm:s0], s1  }
0x84: {  	s0 =	simm.s32 @!p0 $0x2  }
0x85: {  	_ =	swait.ge @!p0 [sflag:s0], s1  }
0x86: {  	s1 =	ssub.s32 @!p0 $0x0, s1;
	[sflag:s0] =	ssyncset.done @!p0 $0x0  }
0x87: {  	[sflag:s0] =	ssyncadd.s32 @!p0 s1  }
0x88: {  	[bflag:$0x3] =	sbarrier.arrive $0xFFFF  }
0x89: {  	_ =	shalt  }

// kernel: kernel.9.cloned.1.call-start
scs
__scs_entry_jumppad:
0x0: {  	(pc) =	sbr.rel $0x88, $3  }
0x1: {  	(tag) =	ssettag $0x0;
	lr =	simm.s32 $0x1  }
0x2: {  	[smem:$0x3F9A] =	sst lr;
	_ =	strace $0xD0000000  }
0x3: {  	_ = 	snop  }
0x4: {  	_ = 	snop  }
0x5: {  	_ = 	snop  }
0x6: {  	_ = 	snop  }
0x7: {  	_ = 	snop  }
__scs_overlays_trampoline_lowered:
0x8: {  	[smem:$0x3FA9] =	sst s0  }
0x9: {  	[smem:$0x3FAA] =	sst s1  }
0xa: {  	[smem:$0x3FAB] =	sst s2  }
0xb: {  	[smem:$0x3FAC] =	sst s3  }
0xc: {  	[smem:$0x3FAD] =	sst s4  }
0xd: {  	[smem:$0x3FAE] =	sst s5  }
0xe: {  	[smem:$0x3FAF] =	sst s6  }
0xf: {  	[smem:$0x3FB0] =	sst s7  }
0x10: {  	[smem:$0x3FB1] =	sst s8  }
0x11: {  	[smem:$0x3FB2] =	sst s9;
	s0 =	simm.s32 @!p0 $0x0  }
0x12: {  	s1 =	sld [smem:$0x3F98];
	s0 =	simm.s32 @p0 $0x1  }
0x13: {  	[smem:$0x3FB3] =	sst s0;
	s0 =	simm.s32 @!p1 $0x0  }
0x14: {  	s2 =	sld [smem:$0x3F97];
	s0 =	simm.s32 @p1 $0x1  }
0x15: {  	[smem:$0x3FB4] =	sst s0;
	s0 =	simm.s32 @!p2 $0x0  }
0x16: {  	s3 =	sld [smem:$0x3FDB];
	s0 =	simm.s32 @p2 $0x1  }
0x17: {  	s4 =	simm.s32 $0x1BF5;
	[smem:$0x3FB6] =	sst s0  }
0x18: {  	s0 =	sld [smem:$0x3F99];
	_ =	swait.ge [sflag:s4], $0x0  }
0x19: {  	s7 =	sld [smem:$0x3F9A]  }
0x1a: {  	s8 =	sadd.s32 $0xFFFFE003, lr  }
0x1b: {  	s9 =	sadd.s32 $0xFFFFFEF7, lr;
	s5 =	simm.s32 $0xFFFFFFFF;
	p2 =	slt.u32 s8, $0xFFFFF086  }
0x1c: {  	p1 =	slt.u32 s9, $0xF7A;
	s5 =	simm.s32 @!p2 $0x0  }
0x1d: {  	s5 =	simm.s32 @p1 $0x1;
	p0 =	seq.s32 s7, s2  }
0x1e: {  	s7 =	smul.u32 @!p0 $0xF7A, s2;
	p2 =	seq.s32 @!p0 s5, $0x0  }
0x1f: {  	s9 =	smul.u32 $0xF7A, s1;
	s8 =	simm.s32 @!p0 $0x1BF5;
	p2 =	por !p2, p0  }
0x20: {  	[sflag:s8] =	ssyncset.s32 @!p0 $0xFFFFF086;
	s6 =	sadd.s32 @!p0 s3, s7;
	s7 =	simm.s32 @!p0 $0x108  }
0x21: {  	s3 =	sadd.s32 s3, s9;
	s6 =	sadd.s32 @!p0 $0x88, s6;
	s7 =	simm.s32 @p2 $0x1082  }
0x22: {  	[simem:s7], [sflag:s8] =	dma.local @!p0 [hbm:s6], $0xF7A  }
0x23: {  	s9 =	sor.u32 $0xD0000000, s2;
	s6 =	simm.s32 $0x108;
	_ =	swait.ge @!p0 [sflag:s8], $0x0  }
0x24: {  	s3 =	sadd.s32 $0x88, s3;
	s6 =	simm.s32 @!p1 $0x1082;
	[sflag:s4] =	ssyncset.s32 $0xFFFFF086  }
0x25: {  	[simem:s6], [sflag:s4] =	dma.local [hbm:s3], $0xF7A  }
0x26: {  	[smem:$0x3F9A] =	sst s1;
	(tag) =	ssettag s2;
	_ =	strace s9  }
0x27: {  	s1 =	sld [smem:$0x3FAA]  }
0x28: {  	s2 =	sld [smem:$0x3FAB]  }
0x29: {  	s4 =	sld [smem:$0x3FAD]  }
0x2a: {  	p0 =	seq.s32 s5, $0x0;
	s5 =	sld [smem:$0x3FAE]  }
0x2b: {  	s6 =	sld [smem:$0x3FAF]  }
0x2c: {  	s7 =	sld [smem:$0x3FB0]  }
0x2d: {  	s3 =	simm.s32 $0x108;
	s8 =	sld [smem:$0x3FB1]  }
0x2e: {  	s3 =	simm.s32 @!p0 $0x1082;
	s9 =	sld [smem:$0x3FB2]  }
0x2f: {  	lr =	sadd.s32 s0, s3;
	s0 =	sld [smem:$0x3FA9]  }
0x30: {  	s3 =	sld [smem:$0x3FAC]  }
0x31: {  	[smem:$0x3FB5] =	sst s10  }
0x32: {  	s10 =	sld [smem:$0x3FB3];
	_ =	sdelay $0x3  }
0x33: {  	p0 =	seq.s32 s10, $0x1;
	s10 =	sld [smem:$0x3FB5];
	_ =	sdelay $0x3  }
0x34: {  	[smem:$0x3FB5] =	sst s10  }
0x35: {  	s10 =	sld [smem:$0x3FB4];
	_ =	sdelay $0x3  }
0x36: {  	p1 =	seq.s32 s10, $0x1;
	s10 =	sld [smem:$0x3FB5];
	_ =	sdelay $0x3  }
0x37: {  	[smem:$0x3FB5] =	sst s10  }
0x38: {  	s10 =	sld [smem:$0x3FB6]  }
0x39: {  	_ = 	snop;
	(pc) =	sbr.ind lr, $3  }
0x3a: {  	_ = 	snop  }
0x3b: {  	_ = 	snop  }
0x3c: {  	p2 =	seq.s32 s10, $0x1;
	s10 =	sld [smem:$0x3FB5]  }
0x3d: {  	_ =	shalt  }
0x3e: {  	_ =	shalt  }
0x3f: {  	_ =	shalt  }
0x40: {  	_ =	shalt  }
0x41: {  	_ =	shalt  }
0x42: {  	_ =	shalt  }
0x43: {  	_ =	shalt  }
0x44: {  	_ =	shalt  }
0x45: {  	_ =	shalt  }
0x46: {  	_ =	shalt  }
0x47: {  	_ =	shalt  }
0x48: {  	_ =	shalt  }
0x49: {  	_ =	shalt  }
0x4a: {  	_ =	shalt  }
0x4b: {  	_ =	shalt  }
0x4c: {  	_ =	shalt  }
0x4d: {  	_ =	shalt  }
0x4e: {  	_ =	shalt  }
0x4f: {  	_ =	shalt  }
0x50: {  	_ =	shalt  }
0x51: {  	_ =	shalt  }
0x52: {  	_ =	shalt  }
0x53: {  	_ =	shalt  }
0x54: {  	_ =	shalt  }
0x55: {  	_ =	shalt  }
0x56: {  	_ =	shalt  }
0x57: {  	_ =	shalt  }
0x58: {  	_ =	shalt  }
0x59: {  	_ =	shalt  }
0x5a: {  	_ =	shalt  }
0x5b: {  	_ =	shalt  }
0x5c: {  	_ =	shalt  }
0x5d: {  	_ =	shalt  }
0x5e: {  	_ =	shalt  }
0x5f: {  	_ =	shalt  }
0x60: {  	_ =	shalt  }
0x61: {  	_ =	shalt  }
0x62: {  	_ =	shalt  }
0x63: {  	_ =	shalt  }
0x64: {  	_ =	shalt  }
0x65: {  	_ =	shalt  }
0x66: {  	_ =	shalt  }
0x67: {  	_ =	shalt  }
0x68: {  	_ =	shalt  }
0x69: {  	_ =	shalt  }
0x6a: {  	_ =	shalt  }
0x6b: {  	_ =	shalt  }
0x6c: {  	_ =	shalt  }
0x6d: {  	_ =	shalt  }
0x6e: {  	_ =	shalt  }
0x6f: {  	_ =	shalt  }
0x70: {  	_ =	shalt  }
0x71: {  	_ =	shalt  }
0x72: {  	_ =	shalt  }
0x73: {  	_ =	shalt  }
0x74: {  	_ =	shalt  }
0x75: {  	_ =	shalt  }
0x76: {  	_ =	shalt  }
0x77: {  	_ =	shalt  }
0x78: {  	_ =	shalt  }
0x79: {  	_ =	shalt  }
0x7a: {  	_ =	shalt  }
0x7b: {  	_ =	shalt  }
0x7c: {  	_ =	shalt  }
0x7d: {  	_ =	shalt  }
0x7e: {  	_ =	shalt  }
0x7f: {  	_ =	shalt  }
0x80: {  	_ =	shalt  }
0x81: {  	_ =	shalt  }
0x82: {  	_ =	shalt  }
0x83: {  	_ =	shalt  }
0x84: {  	_ =	shalt  }
0x85: {  	_ =	shalt  }
0x86: {  	_ =	shalt  }
0x87: {  	_ =	shalt  }
.Lfunc_end0:
.L_simem_size_0:
called_computation.1_lowered:
.L_overlay_start_0:
0x88: {  	s2 =	sld [smem:$0x3FD9]  }
0x89: {  	s3 =	sld [smem:$0x3FFE];
	_ =	sdelay $0x1  }
0x8a: {  	s1 =	srdreg.scid  }
0x8b: {  	s0 =	sand.u32 $0x1, s1  }
0x8c: {  	s17 =	sshll.u32 s0, $0xA;
	s2 =	sadd.s32 s3, s2  }
0x8d: {  	s2 =	sadd.s32 s2, s17  }
0x8e: {  	[smem:$0x3FC1] =	sst s2  }
0x8f: {  	_ = 	snop  }
0x90: {  	s18 =	sld [smem:$0x3FD0];
	(tm) =	ssettm $0x1  }
0x91: {  	s19 =	sld [smem:$0x3FFB];
	_ =	sdelay $0x3  }
0x92: {  	_ =	strace s19  }
0x93: {  	s2 =	sld [smem:$0x3FFC];
	_ =	sdelay $0x3  }
0x94: {  	_ =	strace s2  }
0x95: {  	s2 =	sld [smem:$0x3FFD];
	_ =	sdelay $0x3  }
0x96: {  	_ =	strace s2  }
0x97: {  	_ =	strace $0x8FFFFFFF  }
0x98: {  	s20 =	sld [smem:$0x3FDB];
	_ =	sdelay $0x1  }
0x99: {  	s4 =	simm.s32 $_scs_section_size  }
0x9a: {  	s5 =	simm.s32 $_size__tile_overlayer_lowered;
	s6 =	simm.s32 $_tile_overlayer_lowered  }
0x9b: {  	s7 =	simm.s32 $0x1BFF;
	s21 =	sshll.u32 s6, $0x1;
	s4 =	sadd.s32 s4, s20  }
0x9c: {  	s22 =	simm.s32 $0x0;
	s5 =	sshll.u32 s5, $0x1;
	s6 =	sadd.s32 s21, s4  }
0x9d: {  	[timem:s22], [sflag:s7] =	dma.local [hbm:s6], s5  }
0x9e: {  	_ =	swait.ge [sflag:s7], s5  }
0x9f: {  	s5 =	ssub.s32 $0x0, s5;
	[sflag:s7] =	ssyncset.done $0x0  }
0xa0: {  	[sflag:s7] =	ssyncadd.s32 s5;
	_ =	sdelay $0x1  }
0xa1: {  	s23 =	simm.s32 $0x1B8B  }
0xa2: {  	_ =	swait.ge [sflag:s23], $0x1  }
0xa3: {  	[sflag:s23] =	ssyncset.done $0x0  }
0xa4: {  	[sflag:s23] =	ssyncadd.s32 $0xFFFFFFFF  }
0xa5: {  	s5 =	sld [smem:$0x0]  }
0xa6: {  	s6 =	sand.u32 $0xFFFFFFFE, s1  }
0xa7: {  	p0 =	sne.s32 s1, s6  }
0xa8: {  	s6 =	sshll.u32 @p0 s6, $0xE  }
0xa9: {  	s6 =	sadd.s32 @p0 $0x11B8D, s6;
	s7 =	sshll.u32 @p0 s5, $0x11  }
0xaa: {  	s6 =	sor.u32 @p0 s7, s6  }
0xab: {  	[sflag:s6] =	ssyncadd.remote.s32 @p0 $0x1;
	_ =	sdelay $0x1  }
0xac: {  	s6 =	simm.s32 @p0 $0x1B8D  }
0xad: {  	_ =	swait.eq @p0 [sflag:s6], $0x1  }
0xae: {  	[sflag:s6] =	ssyncadd.s32 @p0 $0xFFFFFFFF  }
0xaf: {  	s7 =	sshll.u32 @!p0 s1, $0xE  }
0xb0: {  	s7 =	sor.u32 @!p0 $0x4000, s7;
	s6 =	simm.s32 @!p0 $0x1B8D  }
0xb1: {  	s5 =	sshll.u32 @!p0 s5, $0x11;
	s7 =	sadd.s32 @!p0 $0x11B8D, s7;
	_ =	swait.eq @!p0 [sflag:s6], $0x1  }
0xb2: {  	s5 =	sor.u32 @!p0 s5, s7;
	[sflag:s6] =	ssyncadd.s32 @!p0 $0xFFFFFFFF  }
0xb3: {  	s25 =	simm.s32 $0x1B8E;
	s24 =	sld [smem:$0x3FFE];
	[sflag:s5] =	ssyncadd.remote.s32 @!p0 $0x1  }
0xb4: {  	s26 =	simm.s32 $execute0_lowered;
	[smem:$0x3FD2] =	sst s25  }
0xb5: {  	s6 =	sshll.u32 s26, $0x1;
	_ =	strace $0x80000049;
	[dreg:$0x1] =	wrdreg $0xFFFFFFFF  }
0xb6: {  	s28 =	simm.s32 $_size_execute0_lowered;
	s4 =	sadd.s32 s4, s6;
	[dreg:$0x0] =	wrdreg $0x0  }
0xb7: {  	s6 =	sshll.u32 s28, $0x1;
	[dreg:$0x2] =	wrdreg s4  }
0xb8: {  	[dreg:$0x3] =	wrdreg s6  }
0xb9: {  	[dreg:$0x4] =	wrdreg $0xC0  }
0xba: {  	_ =	task [dreg:s22], $0x5FFFF  }
0xbb: {  	[dreg:$0x1] =	wrdreg $0xFFFFFFFF  }
0xbc: {  	[dreg:$0x0] =	wrdreg $0x60  }
0xbd: {  	[dreg:$0x2] =	wrdreg s18  }
0xbe: {  	[dreg:$0x3] =	wrdreg s24  }
0xbf: {  	[dreg:$0x4] =	wrdreg $0xA  }
0xc0: {  	_ =	task.clear_ibuf [dreg:s22], $0x5FFFF;
	_ =	strace $0x90000049  }
0xc1: {  	s29 =	simm.s32 $0xA;
	_ =	strace $0x8000004B  }
0xc2: {  	_ =	swait.ge [sflag:s29], $0x1  }
0xc3: {  	[sflag:s29] =	ssyncadd.s32 $0xFFFFFFFF  }
0xc4: {  	_ =	strace $0x9000004B  }
0xc5: {  	_ =	sfence  }
0xc6: {  	s30 =	sld [smem:$0x0];
	_ =	sdelay $0x2  }
0xc7: {  	s31 =	sshll.u32 s1, $0xD;
	s1 =	sshrl.u32 s1, $0x2  }
0xc8: {  	s4 =	sand.u32 $0x4000, s31;
	s1 =	sadd.s32 s1, s30  }
0xc9: {  	s0 =	sor.u32 s4, s0;
	s1 =	sshll.u32 s1, $0x11  }
0xca: {  	s0 =	sor.u32 s1, s0  }
0xcb: {  	s0 =	sadd.s32 $0x8F2B, s0  }
0xcc: {  	[sflag:s0] =	ssyncadd.remote.s32 $0x1  }
0xcd: {  	_ =	sfence.sel $0xFFFF  }
0xce: {  	[dreg:$0x0] =	wrdreg $0xFFFFFFFF;
	(pc) =	sbr.abs _section_cstart, $3  }
0xcf: {  	[dreg:$0x1] =	wrdreg $0xFFFFFFFF  }
0xd0: {  	_ =	task.clear_ibuf [dreg:s22], $0x2FFFF;
	_ =	strace $0x9FFFFFFF  }
0xd1: {  	(tm) =	ssettm $0x7FFFFFFF  }
tec
execute0_lowered:
.L_overlay_start_1:
0x0: {  	(tag) =	ssettag $0x1  }
0x1: {  	s1 =	srdreg.scid;
	s0 =	stileid.u32  }
0x2: {  	s6 =	sand.u32 $0x1, s1;
	s31 =	sshll.u32 s0, $0x1  }
0x3: {  	s1 =	sor.u32 s6, s31  }
0x4: {  	s1 =	smul.u32 $0x28A, s1;
	_ =	sdelay $0x1  }
0x5: {  	s2 =	sadd.s32 $0x28A, s1  }
0x6: {  	s7 =	sshrl.u32 s1, $0x5;
	s3 =	sshrl.u32 s2, $0x5  }
0x7: {  	s3 =	ssub.s32 s3, s7  }
0x8: {  	p0 =	slt.s32 s3, $0x1  }
.Ltmp0:
0x9: {  	_ = 	snop;
	(pc) =	sbr.rel @p0 .LBB2_5-.Ltmp0, $4  }
0xa: {  	s5 =	rddreg [dreg:$0x0]  }
0xb: {  	s8 =	rddreg [dreg:$0x1];
	s2 =	simm.s32 $0x0  }
0xc: {  	[smem:$0x7FF] =	sst s2  }
0xd: {  	s1 =	rddreg [dreg:$0x2];
	_ =	strace $0x8000004A  }
0xe: {  	s4 =	sadd.s32 $0xF43600, s8;
	s6 =	ssub.s32 $0x2, s6  }
0xf: {  	s29 =	sadd.s32 $0x28B200, s8;
	s10 =	sshll.u32 s7, $0x7;
	s31 =	sshll.u32 s7, $0xC  }
0x10: {  	s8 =	simm.s32 $0x2;
	s11 =	simm.s32 $0x1400;
	s12 =	simm.s32 $0x100  }
0x11: {  	s13 =	simm.s32 $0x2400;
	s14 =	simm.s32 $0x180;
	s15 =	simm.s32 $0x3400  }
0x12: {  	s16 =	simm.s32 $0x200;
	s17 =	simm.s32 $0x4400;
	s18 =	simm.s32 $0x280  }
0x13: {  	s19 =	simm.s32 $0x5400;
	s20 =	simm.s32 $0x300;
	s21 =	simm.s32 $0x6400  }
0x14: {  	s22 =	simm.s32 $0x380;
	s23 =	simm.s32 $0x7400;
	s24 =	simm.s32 $0x1  }
0x15: {  	s25 =	simm.s32 $0x0;
	s9 =	sshrl.u32 s6, $0x1;
	s30 =	sadd.s32 s10, s5  }
0x16: {  	s7 =	sadd.s32 s31, s29;
	s10 =	simm.s32 $0x400;
	s6 =	ssub.s32 s6, s9  }
0x17: {  	s9 =	simm.s32 $0x80;
	s5 =	smax.u32 s6, $0x1;
	s6 =	sadd.s32 $0x14500, s30  }
.LBB2_2:
0x18: {  	[tilespmem:s2], [sflag:$0x2] =	stream.linear.gather [hbm4b:s6+s2], $0x400, $0x38;
	[tilespmem:$0x8400] =	vst v63  }
0x19: {  	_ =	swait.ge [sflag:s8], $0x400  }
0x1a: {  	[sflag:s8] =	ssyncset.done $0x0  }
0x1b: {  	[sflag:s8] =	ssyncadd.s32 $0xFFFFFC00  }
0x1c: {  	[tilespmem:s10], [sflag:$0x1] =	stream.indirect.gather [hbm4b:s4+s9], $0x20, s2, s9, $0xb8;
	[tilespmem:$0x8400] =	vst v63  }
0x1d: {  	_ = 	snop  }
0x1e: {  	[tilespmem:s11], [sflag:$0x1] =	stream.indirect.gather [hbm4b:s4+s9], $0x20, s9, s9, $0xb8;
	[tilespmem:$0x8400] =	vst v63  }
0x1f: {  	_ = 	snop  }
0x20: {  	[tilespmem:s13], [sflag:$0x1] =	stream.indirect.gather [hbm4b:s4+s9], $0x20, s12, s9, $0xb8;
	[tilespmem:$0x8400] =	vst v63  }
0x21: {  	_ = 	snop  }
0x22: {  	[tilespmem:s15], [sflag:$0x1] =	stream.indirect.gather [hbm4b:s4+s9], $0x20, s14, s9, $0xb8;
	[tilespmem:$0x8400] =	vst v63  }
0x23: {  	_ = 	snop  }
0x24: {  	[tilespmem:s17], [sflag:$0x1] =	stream.indirect.gather [hbm4b:s4+s9], $0x20, s16, s9, $0xb8;
	[tilespmem:$0x8400] =	vst v63  }
0x25: {  	_ = 	snop  }
0x26: {  	[tilespmem:s19], [sflag:$0x1] =	stream.indirect.gather [hbm4b:s4+s9], $0x20, s18, s9, $0xb8;
	[tilespmem:$0x8400] =	vst v63  }
0x27: {  	_ = 	snop  }
0x28: {  	[tilespmem:s21], [sflag:$0x1] =	stream.indirect.gather [hbm4b:s4+s9], $0x20, s20, s9, $0xb8;
	[tilespmem:$0x8400] =	vst v63  }
0x29: {  	_ = 	snop  }
0x2a: {  	[tilespmem:s23], [sflag:$0x1] =	stream.indirect.gather [hbm4b:s4+s9], $0x20, s22, s9, $0xb8;
	[tilespmem:$0x8400] =	vst v63  }
0x2b: {  	_ =	swait.ge [sflag:s24], $0x1000  }
0x2c: {  	[sflag:s24] =	ssyncset.done $0x0  }
0x2d: {  	[sflag:s24] =	ssyncadd.s32 $0xFFFFF000  }
0x2e: {  	_ =	swait.ge [sflag:s24], $0x1000  }
0x2f: {  	[sflag:s24] =	ssyncset.done $0x0  }
0x30: {  	[sflag:s24] =	ssyncadd.s32 $0xFFFFF000  }
0x31: {  	_ =	swait.ge [sflag:s24], $0x1000  }
0x32: {  	[sflag:s24] =	ssyncset.done $0x0  }
0x33: {  	[sflag:s24] =	ssyncadd.s32 $0xFFFFF000  }
0x34: {  	_ =	swait.ge [sflag:s24], $0x1000  }
0x35: {  	[sflag:s24] =	ssyncset.done $0x0  }
0x36: {  	[sflag:s24] =	ssyncadd.s32 $0xFFFFF000  }
0x37: {  	_ =	swait.ge [sflag:s24], $0x1000  }
0x38: {  	[sflag:s24] =	ssyncset.done $0x0  }
0x39: {  	[sflag:s24] =	ssyncadd.s32 $0xFFFFF000  }
0x3a: {  	_ =	swait.ge [sflag:s24], $0x1000  }
0x3b: {  	[sflag:s24] =	ssyncset.done $0x0  }
0x3c: {  	[sflag:s24] =	ssyncadd.s32 $0xFFFFF000  }
0x3d: {  	_ =	swait.ge [sflag:s24], $0x1000  }
0x3e: {  	[sflag:s24] =	ssyncset.done $0x0  }
0x3f: {  	[sflag:s24] =	ssyncadd.s32 $0xFFFFF000  }
0x40: {  	p0 =	sne.s32 s3, $0x1;
	_ =	swait.ge [sflag:s24], $0x1000  }
.Ltmp1:
0x41: {  	[sflag:s24] =	ssyncset.done $0x0;
	(pc) =	sbr.rel @!p0 .LBB2_4-.Ltmp1, $4  }
0x42: {  	[sflag:s24] =	ssyncadd.s32 $0xFFFFF000  }
0x43: {  	[hbm4b:s7+s2] =	stream.linear.scatter [tilespmem:s10], [sflag:$0x2], $0x8000, $0x38;
	[tilespmem:$0x8400] =	vst v63  }
0x44: {  	s26 =	sadd.s32 $0xFFFFFFFF, s3;
	_ =	swait.ge [sflag:s8], $0x8000  }
0x45: {  	s28 =	smov.u32 s6;
	s29 =	smov.u32 s7;
	[sflag:s8] =	ssyncset.done $0x0  }
.LBB2_3:
0x46: {  	[sflag:s8] =	ssyncadd.s32 $0xFFFF8000;
	s28 =	sadd.s32 $0x80, s28;
	s29 =	sadd.s32 $0x1000, s29  }
0x47: {  	[tilespmem:s2], [sflag:$0x2] =	stream.linear.gather [hbm4b:s28+s2], $0x400, $0x38;
	[tilespmem:$0x8400] =	vst v63  }
0x48: {  	p0 =	sne.s32 s26, $0x1;
	s26 =	sadd.s32 $0xFFFFFFFF, s26;
	_ =	swait.ge [sflag:s8], $0x400  }
0x49: {  	[sflag:s8] =	ssyncset.done $0x0  }
0x4a: {  	[sflag:s8] =	ssyncadd.s32 $0xFFFFFC00  }
0x4b: {  	[tilespmem:s10], [sflag:$0x1] =	stream.indirect.gather [hbm4b:s4+s9], $0x20, s2, s9, $0xb8;
	[tilespmem:$0x8400] =	vst v63  }
0x4c: {  	_ = 	snop  }
0x4d: {  	[tilespmem:s11], [sflag:$0x1] =	stream.indirect.gather [hbm4b:s4+s9], $0x20, s9, s9, $0xb8;
	[tilespmem:$0x8400] =	vst v63  }
0x4e: {  	_ = 	snop  }
0x4f: {  	[tilespmem:s13], [sflag:$0x1] =	stream.indirect.gather [hbm4b:s4+s9], $0x20, s12, s9, $0xb8;
	[tilespmem:$0x8400] =	vst v63  }
0x50: {  	_ = 	snop  }
0x51: {  	[tilespmem:s15], [sflag:$0x1] =	stream.indirect.gather [hbm4b:s4+s9], $0x20, s14, s9, $0xb8;
	[tilespmem:$0x8400] =	vst v63  }
0x52: {  	_ = 	snop  }
0x53: {  	[tilespmem:s17], [sflag:$0x1] =	stream.indirect.gather [hbm4b:s4+s9], $0x20, s16, s9, $0xb8;
	[tilespmem:$0x8400] =	vst v63  }
0x54: {  	_ = 	snop  }
0x55: {  	[tilespmem:s19], [sflag:$0x1] =	stream.indirect.gather [hbm4b:s4+s9], $0x20, s18, s9, $0xb8;
	[tilespmem:$0x8400] =	vst v63  }
0x56: {  	_ = 	snop  }
0x57: {  	[tilespmem:s21], [sflag:$0x1] =	stream.indirect.gather [hbm4b:s4+s9], $0x20, s20, s9, $0xb8;
	[tilespmem:$0x8400] =	vst v63  }
0x58: {  	_ = 	snop  }
0x59: {  	[tilespmem:s23], [sflag:$0x1] =	stream.indirect.gather [hbm4b:s4+s9], $0x20, s22, s9, $0xb8;
	[tilespmem:$0x8400] =	vst v63  }
0x5a: {  	_ =	swait.ge [sflag:s24], $0x1000  }
0x5b: {  	[sflag:s24] =	ssyncset.done $0x0  }
0x5c: {  	[sflag:s24] =	ssyncadd.s32 $0xFFFFF000  }
0x5d: {  	_ =	swait.ge [sflag:s24], $0x1000  }
0x5e: {  	[sflag:s24] =	ssyncset.done $0x0  }
0x5f: {  	[sflag:s24] =	ssyncadd.s32 $0xFFFFF000  }
0x60: {  	_ =	swait.ge [sflag:s24], $0x1000  }
0x61: {  	[sflag:s24] =	ssyncset.done $0x0  }
0x62: {  	[sflag:s24] =	ssyncadd.s32 $0xFFFFF000  }
0x63: {  	_ =	swait.ge [sflag:s24], $0x1000  }
0x64: {  	[sflag:s24] =	ssyncset.done $0x0  }
0x65: {  	[sflag:s24] =	ssyncadd.s32 $0xFFFFF000  }
0x66: {  	_ =	swait.ge [sflag:s24], $0x1000  }
0x67: {  	[sflag:s24] =	ssyncset.done $0x0  }
0x68: {  	[sflag:s24] =	ssyncadd.s32 $0xFFFFF000  }
0x69: {  	_ =	swait.ge [sflag:s24], $0x1000  }
0x6a: {  	[sflag:s24] =	ssyncset.done $0x0  }
0x6b: {  	[sflag:s24] =	ssyncadd.s32 $0xFFFFF000  }
0x6c: {  	_ =	swait.ge [sflag:s24], $0x1000  }
0x6d: {  	[sflag:s24] =	ssyncset.done $0x0  }
0x6e: {  	[sflag:s24] =	ssyncadd.s32 $0xFFFFF000  }
0x6f: {  	_ =	swait.ge [sflag:s24], $0x1000  }
.Ltmp2:
0x70: {  	[sflag:s24] =	ssyncset.done $0x0;
	(pc) =	sbr.rel @p0 .LBB2_3-.Ltmp2, $4  }
0x71: {  	[sflag:s24] =	ssyncadd.s32 $0xFFFFF000  }
0x72: {  	[hbm4b:s29+s2] =	stream.linear.scatter [tilespmem:s10], [sflag:$0x2], $0x8000, $0x38;
	[tilespmem:$0x8400] =	vst v63  }
0x73: {  	_ =	swait.ge [sflag:s8], $0x8000  }
0x74: {  	[sflag:s8] =	ssyncset.done $0x0  }
.LBB2_4:
0x75: {  	s25 =	sadd.s32 $0x1, s25  }
0x76: {  	p0 =	sne.s32 s25, s5  }
.Ltmp3:
0x77: {  	_ = 	snop;
	(pc) =	sbr.rel @p0 .LBB2_2-.Ltmp3, $2  }
0x78: {  	_ =	sdelay $0x2  }
0x79: {  	[sflag:s8] =	ssyncadd.s32 $0xFFFF8000  }
.LBB2_5:
0x7a: {  	_ =	sfence.sel $0x180000  }
0x7b: {  	[bflag:$0x0] =	sbarrier.arrive $0xFFFF  }
0x7c: {  	p0 =	sne.s32 s0, $0x0;
	_ =	strace $0x9000004A  }
0x7d: {  	s0 =	sadd.s32 @!p0 $0x100000, s1;
	[bflag:$0x2] =	sbarrier.arrive $0xFFFF  }
0x7e: {  	[sflag:s0] =	ssyncadd.tile.s32 @!p0 $0x1;
	_ =	shalt  }
.Lfunc_end2:
_tile_overlayer_lowered:
.L_overlay_start_2:
0x7f: {  	(tag) =	ssettag $0x2  }
0x80: {  	s0 =	rddreg [dreg:$0x0];
	s2 =	stileid.u32  }
0x81: {  	s1 =	rddreg [dreg:$0x1];
	p0 =	sne.s32 s2, $0x0  }
0x82: {  	s3 =	rddreg [dreg:$0x2];
	[bflag:$0x3] =	sbarrier.arrive $0xFFFF;
	s2 =	simm.s32 @!p0 $0x1C02  }
0x83: {  	[timem:s3], [sflag:s2] =	dma.local @!p0 [hbm:s0], s1  }
0x84: {  	s0 =	simm.s32 @!p0 $0x2  }
0x85: {  	_ =	swait.ge @!p0 [sflag:s0], s1  }
0x86: {  	s1 =	ssub.s32 @!p0 $0x0, s1;
	[sflag:s0] =	ssyncset.done @!p0 $0x0  }
0x87: {  	[sflag:s0] =	ssyncadd.s32 @!p0 s1  }
0x88: {  	[bflag:$0x3] =	sbarrier.arrive $0xFFFF  }
0x89: {  	_ =	shalt  }

</sc_bundles>
